<compile_context>
chip_gen: v7x
topology: tpu7x:2x2x1
jax: 0.10.2.dev20260603
libtpu: 0.0.44.dev20260713+nightly
codegen_flags: <defaults>
</compile_context>

<pallas_src>
import functools

import jax
import jax.numpy as jnp
from jax import lax
from jax.experimental import pallas as pl
from jax.experimental.pallas import tpu as pltpu
from jax.experimental.pallas import tpu_sc as plsc

VOCAB = 100000
EMB = 32
HID = 128
B = 1024
CTX = 50

_NC = 2
_NS = 16
_NW = _NC * _NS
_B_PER_W = B // _NW
_B_CHUNK = _B_PER_W // 2
_IDX_PER_CHUNK = _B_CHUNK * CTX

V_TILE = 5632


def _gather_sum_sc(idx_flat, emb):
    mesh = plsc.VectorSubcoreMesh(core_axis_name="c", subcore_axis_name="s")

    @functools.partial(
        pl.kernel,
        mesh=mesh,
        out_type=jax.ShapeDtypeStruct((B, EMB), jnp.float32),
        scratch_types=[
            pltpu.VMEM((_IDX_PER_CHUNK,), jnp.int32),
            pltpu.VMEM((_IDX_PER_CHUNK,), jnp.int32),
            pltpu.VMEM((_IDX_PER_CHUNK, EMB), jnp.float32),
            pltpu.VMEM((_IDX_PER_CHUNK, EMB), jnp.float32),
            pltpu.VMEM((_B_PER_W, EMB), jnp.float32),
            pltpu.SemaphoreType.DMA,
            pltpu.SemaphoreType.DMA,
        ],
        compiler_params=pltpu.CompilerParams(use_tc_tiling_on_sc=False),
    )
    def gather_sum(idx_hbm, table_hbm, out_hbm,
                   idx_v0, idx_v1, rows_v0, rows_v1, acc_v, sem0, sem1):
        wid = lax.axis_index("s") * _NC + lax.axis_index("c")
        base = wid * (2 * _IDX_PER_CHUNK)
        pltpu.sync_copy(idx_hbm.at[pl.ds(base, _IDX_PER_CHUNK)], idx_v0)
        g0 = pltpu.async_copy(table_hbm.at[idx_v0], rows_v0, sem0)
        pltpu.sync_copy(
            idx_hbm.at[pl.ds(base + _IDX_PER_CHUNK, _IDX_PER_CHUNK)], idx_v1)
        g1 = pltpu.async_copy(table_hbm.at[idx_v1], rows_v1, sem1)

        def make_sum(rows_v, b_off):
            def batch_body(b, carry):
                r0 = jnp.zeros((16,), jnp.float32)
                r1 = jnp.zeros((16,), jnp.float32)
                row = b * CTX
                for c in range(CTX):
                    r0 = r0 + rows_v[row + c, pl.ds(0, 16)]
                    r1 = r1 + rows_v[row + c, pl.ds(16, 16)]
                acc_v[b_off + b, pl.ds(0, 16)] = r0
                acc_v[b_off + b, pl.ds(16, 16)] = r1
                return carry
            return batch_body

        g0.wait()
        lax.fori_loop(0, _B_CHUNK, make_sum(rows_v0, 0), 0)
        g1.wait()
        lax.fori_loop(0, _B_CHUNK, make_sum(rows_v1, _B_CHUNK), 0)
        pltpu.sync_copy(acc_v, out_hbm.at[pl.ds(wid * _B_PER_W, _B_PER_W)])

    return gather_sum(idx_flat, emb)


def _mlp_kernel(x_ref, w1_ref, b1_ref, w2_ref, b2_ref, out_ref, ht_ref):
    @pl.when(pl.program_id(0) == 0)
    def _():
        ht = lax.dot_general(
            w1_ref[...], x_ref[...], (((1,), (1,)), ((), ())),
            preferred_element_type=jnp.float32,
        )
        ht_ref[...] = jnp.maximum(ht + b1_ref[...], 0.0)

    out_ref[...] = lax.dot_general(
        w2_ref[...], ht_ref[...], (((1,), (0,)), ((), ())),
        preferred_element_type=jnp.float32,
    ) + b2_ref[...]


def _mlp_tc(x, W1, b1, W2, b2):
    n_tiles = pl.cdiv(VOCAB, V_TILE)
    out_t = pl.pallas_call(
        _mlp_kernel,
        grid=(n_tiles,),
        in_specs=[
            pl.BlockSpec((B, EMB), lambda i: (0, 0)),
            pl.BlockSpec((HID, EMB), lambda i: (0, 0)),
            pl.BlockSpec((HID, 1), lambda i: (0, 0)),
            pl.BlockSpec((V_TILE, HID), lambda i: (i, 0)),
            pl.BlockSpec((V_TILE, 1), lambda i: (i, 0)),
        ],
        out_specs=pl.BlockSpec((V_TILE, B), lambda i: (i, 0)),
        out_shape=jax.ShapeDtypeStruct((VOCAB, B), jnp.float32),
        scratch_shapes=[pltpu.VMEM((HID, B), jnp.float32)],
        compiler_params=pltpu.CompilerParams(
            dimension_semantics=("arbitrary",),
            vmem_limit_bytes=100 * 1024 * 1024,
        ),
    )(x, W1, b1.reshape(HID, 1), W2, b2.reshape(VOCAB, 1))
    return jnp.swapaxes(out_t, 0, 1)


def kernel(inp, emb, W1, b1, W2, b2):
    idx_flat = inp.reshape(-1).astype(jnp.int32)
    x = _gather_sum_sc(idx_flat, emb)
    return _mlp_tc(x, W1, b1, W2, b2)

# --- scband reference (transcript-rebuilt; emitter-appended) ---
"""Pipeline reference for scband-cbow-28338194219165 (READ-ONLY COPY).

The authoritative reference and input builder live on the scoring server;
editing this copy changes nothing except your own understanding.
"""

import jax, jax.numpy as jnp
import numpy as np

VOCAB = 100000
EMB = 32
HID = 128
B = 1024
CTX = 50

def setup_inputs(seed: int = 0) -> dict:
    key = jax.random.key(seed)
    k_inp, k_emb, k_w1, k_b1, k_w2, k_b2 = jax.random.split(key, 6)
    inp = jax.random.randint(k_inp, (B, CTX), 0, VOCAB, dtype=jnp.int64) if jax.config.jax_enable_x64 else jax.random.randint(k_inp, (B, CTX), 0, VOCAB, dtype=jnp.int32)
    emb = jax.random.normal(k_emb, (VOCAB, EMB), dtype=jnp.float32) * 0.02
    # nn.Linear default init: U(-1/sqrt(fan_in), 1/sqrt(fan_in))
    lim1 = 1.0 / np.sqrt(EMB)
    W1 = jax.random.uniform(k_w1, (HID, EMB), dtype=jnp.float32, minval=-lim1, maxval=lim1)
    b1 = jax.random.uniform(k_b1, (HID,), dtype=jnp.float32, minval=-lim1, maxval=lim1)
    lim2 = 1.0 / np.sqrt(HID)
    W2 = jax.random.uniform(k_w2, (VOCAB, HID), dtype=jnp.float32, minval=-lim2, maxval=lim2)
    b2 = jax.random.uniform(k_b2, (VOCAB,), dtype=jnp.float32, minval=-lim2, maxval=lim2)
    return {"inp": inp, "emb": emb, "W1": W1, "b1": b1, "W2": W2, "b2": b2}

def reference(inp, emb, W1, b1, W2, b2):
    # embedding lookup (gather) then sum over context dim
    embedding = jnp.take(emb, inp, axis=0).sum(axis=1)          # [B, EMB]
    out = embedding @ W1.T + b1                                  # [B, HID]
    out = jax.nn.relu(out)
    out = out @ W2.T + b2                                        # [B, VOCAB]
    return out

if __name__ == "__main__":
    import jax
    _d = setup_inputs()
    print(jax.jit(kernel)(*tuple(_d.values())))

</pallas_src>

<mosaic_0001>
#map = affine_map<(d0, d1) -> (0)>
#map1 = affine_map<(d0, d1) -> (0, 0)>
module attributes {stable_mosaic.version = 14 : i64} {
  func.func @gather_sum(%arg0: i32, %arg1: i32, %arg2: memref<51200xi32, #tpu.memory_space<hbm>>, %arg3: memref<100000x32xf32, #tpu.memory_space<hbm>>, %arg4: memref<1024x32xf32, #tpu.memory_space<hbm>>, %arg5: memref<800xi32, #tpu.memory_space<vmem>>, %arg6: memref<800xi32, #tpu.memory_space<vmem>>, %arg7: memref<800x32xf32, #tpu.memory_space<vmem>>, %arg8: memref<800x32xf32, #tpu.memory_space<vmem>>, %arg9: memref<32x32xf32, #tpu.memory_space<vmem>>, %arg10: memref<!tpu.dma_semaphore, #tpu.memory_space<semaphore_mem>>, %arg11: memref<!tpu.dma_semaphore, #tpu.memory_space<semaphore_mem>>) attributes {dimension_semantics = [#tpu.dimension_semantics<core_parallel>, #tpu.dimension_semantics<subcore_parallel>], iteration_bounds = array<i64: 2, 16>, scalar_prefetch = 0 : i64, scratch_operands = 7 : i64, tpu.core_type = #tpu.core_type<sc_vector_subcore>, window_params = [{transform_indices = #map}, {transform_indices = #map1}, {transform_indices = #map1}]} {
    %mul3A = arith.constant 2 : i32
    %mul3A_0 = arith.muli %arg1, %mul3A : i32
    %add3A = arith.addi %mul3A_0, %arg0 : i32
    %mul3A_1 = arith.constant 1600 : i32
    %mul3A_2 = arith.muli %add3A, %mul3A_1 : i32
    "tpu.region"() ({
      %run_scoped3A = tpu.sem_alloc : memref<!tpu.dma_semaphore, #tpu.memory_space<semaphore_mem>>
      %dma_start3A_28 = tpu.memref_slice %arg2[%mul3A_2] : memref<51200xi32, #tpu.memory_space<hbm>> -> memref<800xi32, #tpu.memory_space<hbm>>
      %dma_start3A_29 = tpu.memref_slice %arg2[%mul3A_2] : memref<51200xi32, #tpu.memory_space<hbm>> -> memref<800xi32, #tpu.memory_space<hbm>>
      tpu.enqueue_dma source(%dma_start3A_29 : memref<800xi32, #tpu.memory_space<hbm>>) target(%arg5 : memref<800xi32, #tpu.memory_space<vmem>>) target_semaphore(%run_scoped3A : memref<!tpu.dma_semaphore, #tpu.memory_space<semaphore_mem>>)
      %dma_wait3A_30 = tpu.memref_slice %arg2[%mul3A_2] : memref<51200xi32, #tpu.memory_space<hbm>> -> memref<800xi32, #tpu.memory_space<hbm>>
      %dma_wait3A_31 = tpu.memref_slice %arg2[%mul3A_2] : memref<51200xi32, #tpu.memory_space<hbm>> -> memref<800xi32, #tpu.memory_space<hbm>>
      tpu.wait_dma2 semaphore(%run_scoped3A : memref<!tpu.dma_semaphore, #tpu.memory_space<semaphore_mem>>) src(%dma_wait3A_31 : memref<800xi32, #tpu.memory_space<hbm>>) dst(%arg5 : memref<800xi32, #tpu.memory_space<vmem>>)
      tpu.yield
    }) : () -> ()
    %dma_start3A = arith.constant 0 : i32
    %dma_start3A_3 = arith.constant 0 : i32
    %dma_start3A_4 = tpu.memref_slice %arg3[%dma_start3A, %dma_start3A_3] : memref<100000x32xf32, #tpu.memory_space<hbm>> -> memref<100000x32xf32, #tpu.memory_space<hbm>>
    tpu.enqueue_indirect_dma source(%dma_start3A_4 : memref<100000x32xf32, #tpu.memory_space<hbm>>) target(%arg7 : memref<800x32xf32, #tpu.memory_space<vmem>>) offsets(%arg5 : memref<800xi32, #tpu.memory_space<vmem>>) semaphore(%arg10 : memref<!tpu.dma_semaphore, #tpu.memory_space<semaphore_mem>>)
    %add3A_5 = arith.constant 800 : i32
    %add3A_6 = arith.addi %mul3A_2, %add3A_5 : i32
    "tpu.region"() ({
      %run_scoped3A = tpu.sem_alloc : memref<!tpu.dma_semaphore, #tpu.memory_space<semaphore_mem>>
      %dma_start3A_28 = tpu.memref_slice %arg2[%add3A_6] : memref<51200xi32, #tpu.memory_space<hbm>> -> memref<800xi32, #tpu.memory_space<hbm>>
      %dma_start3A_29 = tpu.memref_slice %arg2[%add3A_6] : memref<51200xi32, #tpu.memory_space<hbm>> -> memref<800xi32, #tpu.memory_space<hbm>>
      tpu.enqueue_dma source(%dma_start3A_29 : memref<800xi32, #tpu.memory_space<hbm>>) target(%arg6 : memref<800xi32, #tpu.memory_space<vmem>>) target_semaphore(%run_scoped3A : memref<!tpu.dma_semaphore, #tpu.memory_space<semaphore_mem>>)
      %dma_wait3A_30 = tpu.memref_slice %arg2[%add3A_6] : memref<51200xi32, #tpu.memory_space<hbm>> -> memref<800xi32, #tpu.memory_space<hbm>>
      %dma_wait3A_31 = tpu.memref_slice %arg2[%add3A_6] : memref<51200xi32, #tpu.memory_space<hbm>> -> memref<800xi32, #tpu.memory_space<hbm>>
      tpu.wait_dma2 semaphore(%run_scoped3A : memref<!tpu.dma_semaphore, #tpu.memory_space<semaphore_mem>>) src(%dma_wait3A_31 : memref<800xi32, #tpu.memory_space<hbm>>) dst(%arg6 : memref<800xi32, #tpu.memory_space<vmem>>)
      tpu.yield
    }) : () -> ()
    %dma_start3A_7 = arith.constant 0 : i32
    %dma_start3A_8 = arith.constant 0 : i32
    %dma_start3A_9 = tpu.memref_slice %arg3[%dma_start3A_7, %dma_start3A_8] : memref<100000x32xf32, #tpu.memory_space<hbm>> -> memref<100000x32xf32, #tpu.memory_space<hbm>>
    tpu.enqueue_indirect_dma source(%dma_start3A_9 : memref<100000x32xf32, #tpu.memory_space<hbm>>) target(%arg8 : memref<800x32xf32, #tpu.memory_space<vmem>>) offsets(%arg6 : memref<800xi32, #tpu.memory_space<vmem>>) semaphore(%arg11 : memref<!tpu.dma_semaphore, #tpu.memory_space<semaphore_mem>>)
    %dma_wait3A = arith.constant 0 : i32
    %dma_wait3A_10 = arith.constant 0 : i32
    %dma_wait3A_11 = tpu.memref_slice %arg3[%dma_wait3A, %dma_wait3A_10] : memref<100000x32xf32, #tpu.memory_space<hbm>> -> memref<100000x32xf32, #tpu.memory_space<hbm>>
    tpu.wait_indirect_dma semaphore(%arg10 : memref<!tpu.dma_semaphore, #tpu.memory_space<semaphore_mem>>) src(%dma_wait3A_11 : memref<100000x32xf32, #tpu.memory_space<hbm>>) dst(%arg7 : memref<800x32xf32, #tpu.memory_space<vmem>>)
    %scan3A = arith.constant 0 : i32
    %scan3A_12 = arith.constant 0 : i32
    %scan3A_13 = arith.constant 16 : i32
    %scan3A_14 = arith.addi %scan3A_12, %scan3A_13 : i32
    %scan3A_15 = arith.constant 1 : i32
    scf.for %scan3A_28 = %scan3A_12 to %scan3A_14 step %scan3A_15  : i32 {
      %broadcast_in_dim3A = arith.constant 0.000000e+00 : f32
      %broadcast_in_dim3A_29 = vector.broadcast %broadcast_in_dim3A : f32 to vector<16xf32>
      %broadcast_in_dim3A_30 = arith.constant 0.000000e+00 : f32
      %broadcast_in_dim3A_31 = vector.broadcast %broadcast_in_dim3A_30 : f32 to vector<16xf32>
      %mul3A_32 = arith.constant 50 : i32
      %mul3A_33 = arith.muli %scan3A_28, %mul3A_32 : i32
      %add3A_34 = arith.constant 0 : i32
      %add3A_35 = arith.addi %mul3A_33, %add3A_34 : i32
      %get3A = arith.index_cast %add3A_35 : i32 to index
      %get3A_36 = arith.constant 0 : index
      %get3A_37 = tpu.vector_load %arg7[%get3A, %get3A_36] {strides = array<i32>} : memref<800x32xf32, #tpu.memory_space<vmem>>, vector<1x16xf32>,
      %get3A_38 = vector.shape_cast %get3A_37 : vector<1x16xf32> to vector<16xf32>
      %add3A_39 = arith.addf %broadcast_in_dim3A_29, %get3A_38 : vector<16xf32>
      %add3A_40 = arith.constant 0 : i32
      %add3A_41 = arith.addi %mul3A_33, %add3A_40 : i32
      %get3A_42 = arith.index_cast %add3A_41 : i32 to index
      %get3A_43 = arith.constant 16 : index
      %get3A_44 = tpu.vector_load %arg7[%get3A_42, %get3A_43] {strides = array<i32>} : memref<800x32xf32, #tpu.memory_space<vmem>>, vector<1x16xf32>,
      %get3A_45 = vector.shape_cast %get3A_44 : vector<1x16xf32> to vector<16xf32>
      %add3A_46 = arith.addf %broadcast_in_dim3A_31, %get3A_45 : vector<16xf32>
      %add3A_47 = arith.constant 1 : i32
      %add3A_48 = arith.addi %mul3A_33, %add3A_47 : i32
      %get3A_49 = arith.index_cast %add3A_48 : i32 to index
      %get3A_50 = arith.constant 0 : index
      %get3A_51 = tpu.vector_load %arg7[%get3A_49, %get3A_50] {strides = array<i32>} : memref<800x32xf32, #tpu.memory_space<vmem>>, vector<1x16xf32>,
      %get3A_52 = vector.shape_cast %get3A_51 : vector<1x16xf32> to vector<16xf32>
      %add3A_53 = arith.addf %add3A_39, %get3A_52 : vector<16xf32>
      %add3A_54 = arith.constant 1 : i32
      %add3A_55 = arith.addi %mul3A_33, %add3A_54 : i32
      %get3A_56 = arith.index_cast %add3A_55 : i32 to index
      %get3A_57 = arith.constant 16 : index
      %get3A_58 = tpu.vector_load %arg7[%get3A_56, %get3A_57] {strides = array<i32>} : memref<800x32xf32, #tpu.memory_space<vmem>>, vector<1x16xf32>,
      %get3A_59 = vector.shape_cast %get3A_58 : vector<1x16xf32> to vector<16xf32>
      %add3A_60 = arith.addf %add3A_46, %get3A_59 : vector<16xf32>
      %add3A_61 = arith.constant 2 : i32
      %add3A_62 = arith.addi %mul3A_33, %add3A_61 : i32
      %get3A_63 = arith.index_cast %add3A_62 : i32 to index
      %get3A_64 = arith.constant 0 : index
      %get3A_65 = tpu.vector_load %arg7[%get3A_63, %get3A_64] {strides = array<i32>} : memref<800x32xf32, #tpu.memory_space<vmem>>, vector<1x16xf32>,
      %get3A_66 = vector.shape_cast %get3A_65 : vector<1x16xf32> to vector<16xf32>
      %add3A_67 = arith.addf %add3A_53, %get3A_66 : vector<16xf32>
      %add3A_68 = arith.constant 2 : i32
      %add3A_69 = arith.addi %mul3A_33, %add3A_68 : i32
      %get3A_70 = arith.index_cast %add3A_69 : i32 to index
      %get3A_71 = arith.constant 16 : index
      %get3A_72 = tpu.vector_load %arg7[%get3A_70, %get3A_71] {strides = array<i32>} : memref<800x32xf32, #tpu.memory_space<vmem>>, vector<1x16xf32>,
      %get3A_73 = vector.shape_cast %get3A_72 : vector<1x16xf32> to vector<16xf32>
      %add3A_74 = arith.addf %add3A_60, %get3A_73 : vector<16xf32>
      %add3A_75 = arith.constant 3 : i32
      %add3A_76 = arith.addi %mul3A_33, %add3A_75 : i32
      %get3A_77 = arith.index_cast %add3A_76 : i32 to index
      %get3A_78 = arith.constant 0 : index
      %get3A_79 = tpu.vector_load %arg7[%get3A_77, %get3A_78] {strides = array<i32>} : memref<800x32xf32, #tpu.memory_space<vmem>>, vector<1x16xf32>,
      %get3A_80 = vector.shape_cast %get3A_79 : vector<1x16xf32> to vector<16xf32>
      %add3A_81 = arith.addf %add3A_67, %get3A_80 : vector<16xf32>
      %add3A_82 = arith.constant 3 : i32
      %add3A_83 = arith.addi %mul3A_33, %add3A_82 : i32
      %get3A_84 = arith.index_cast %add3A_83 : i32 to index
      %get3A_85 = arith.constant 16 : index
      %get3A_86 = tpu.vector_load %arg7[%get3A_84, %get3A_85] {strides = array<i32>} : memref<800x32xf32, #tpu.memory_space<vmem>>, vector<1x16xf32>,
      %get3A_87 = vector.shape_cast %get3A_86 : vector<1x16xf32> to vector<16xf32>
      %add3A_88 = arith.addf %add3A_74, %get3A_87 : vector<16xf32>
      %add3A_89 = arith.constant 4 : i32
      %add3A_90 = arith.addi %mul3A_33, %add3A_89 : i32
      %get3A_91 = arith.index_cast %add3A_90 : i32 to index
      %get3A_92 = arith.constant 0 : index
      %get3A_93 = tpu.vector_load %arg7[%get3A_91, %get3A_92] {strides = array<i32>} : memref<800x32xf32, #tpu.memory_space<vmem>>, vector<1x16xf32>,
      %get3A_94 = vector.shape_cast %get3A_93 : vector<1x16xf32> to vector<16xf32>
      %add3A_95 = arith.addf %add3A_81, %get3A_94 : vector<16xf32>
      %add3A_96 = arith.constant 4 : i32
      %add3A_97 = arith.addi %mul3A_33, %add3A_96 : i32
      %get3A_98 = arith.index_cast %add3A_97 : i32 to index
      %get3A_99 = arith.constant 16 : index
      %get3A_100 = tpu.vector_load %arg7[%get3A_98, %get3A_99] {strides = array<i32>} : memref<800x32xf32, #tpu.memory_space<vmem>>, vector<1x16xf32>,
      %get3A_101 = vector.shape_cast %get3A_100 : vector<1x16xf32> to vector<16xf32>
      %add3A_102 = arith.addf %add3A_88, %get3A_101 : vector<16xf32>
      %add3A_103 = arith.constant 5 : i32
      %add3A_104 = arith.addi %mul3A_33, %add3A_103 : i32
      %get3A_105 = arith.index_cast %add3A_104 : i32 to index
      %get3A_106 = arith.constant 0 : index
      %get3A_107 = tpu.vector_load %arg7[%get3A_105, %get3A_106] {strides = array<i32>} : memref<800x32xf32, #tpu.memory_space<vmem>>, vector<1x16xf32>,
      %get3A_108 = vector.shape_cast %get3A_107 : vector<1x16xf32> to vector<16xf32>
      %add3A_109 = arith.addf %add3A_95, %get3A_108 : vector<16xf32>
      %add3A_110 = arith.constant 5 : i32
      %add3A_111 = arith.addi %mul3A_33, %add3A_110 : i32
      %get3A_112 = arith.index_cast %add3A_111 : i32 to index
      %get3A_113 = arith.constant 16 : index
      %get3A_114 = tpu.vector_load %arg7[%get3A_112, %get3A_113] {strides = array<i32>} : memref<800x32xf32, #tpu.memory_space<vmem>>, vector<1x16xf32>,
      %get3A_115 = vector.shape_cast %get3A_114 : vector<1x16xf32> to vector<16xf32>
      %add3A_116 = arith.addf %add3A_102, %get3A_115 : vector<16xf32>
      %add3A_117 = arith.constant 6 : i32
      %add3A_118 = arith.addi %mul3A_33, %add3A_117 : i32
      %get3A_119 = arith.index_cast %add3A_118 : i32 to index
      %get3A_120 = arith.constant 0 : index
      %get3A_121 = tpu.vector_load %arg7[%get3A_119, %get3A_120] {strides = array<i32>} : memref<800x32xf32, #tpu.memory_space<vmem>>, vector<1x16xf32>,
      %get3A_122 = vector.shape_cast %get3A_121 : vector<1x16xf32> to vector<16xf32>
      %add3A_123 = arith.addf %add3A_109, %get3A_122 : vector<16xf32>
      %add3A_124 = arith.constant 6 : i32
      %add3A_125 = arith.addi %mul3A_33, %add3A_124 : i32
      %get3A_126 = arith.index_cast %add3A_125 : i32 to index
      %get3A_127 = arith.constant 16 : index
      %get3A_128 = tpu.vector_load %arg7[%get3A_126, %get3A_127] {strides = array<i32>} : memref<800x32xf32, #tpu.memory_space<vmem>>, vector<1x16xf32>,
      %get3A_129 = vector.shape_cast %get3A_128 : vector<1x16xf32> to vector<16xf32>
      %add3A_130 = arith.addf %add3A_116, %get3A_129 : vector<16xf32>
      %add3A_131 = arith.constant 7 : i32
      %add3A_132 = arith.addi %mul3A_33, %add3A_131 : i32
      %get3A_133 = arith.index_cast %add3A_132 : i32 to index
      %get3A_134 = arith.constant 0 : index
      %get3A_135 = tpu.vector_load %arg7[%get3A_133, %get3A_134] {strides = array<i32>} : memref<800x32xf32, #tpu.memory_space<vmem>>, vector<1x16xf32>,
      %get3A_136 = vector.shape_cast %get3A_135 : vector<1x16xf32> to vector<16xf32>
      %add3A_137 = arith.addf %add3A_123, %get3A_136 : vector<16xf32>
      %add3A_138 = arith.constant 7 : i32
      %add3A_139 = arith.addi %mul3A_33, %add3A_138 : i32
      %get3A_140 = arith.index_cast %add3A_139 : i32 to index
      %get3A_141 = arith.constant 16 : index
      %get3A_142 = tpu.vector_load %arg7[%get3A_140, %get3A_141] {strides = array<i32>} : memref<800x32xf32, #tpu.memory_space<vmem>>, vector<1x16xf32>,
      %get3A_143 = vector.shape_cast %get3A_142 : vector<1x16xf32> to vector<16xf32>
      %add3A_144 = arith.addf %add3A_130, %get3A_143 : vector<16xf32>
      %add3A_145 = arith.constant 8 : i32
      %add3A_146 = arith.addi %mul3A_33, %add3A_145 : i32
      %get3A_147 = arith.index_cast %add3A_146 : i32 to index
      %get3A_148 = arith.constant 0 : index
      %get3A_149 = tpu.vector_load %arg7[%get3A_147, %get3A_148] {strides = array<i32>} : memref<800x32xf32, #tpu.memory_space<vmem>>, vector<1x16xf32>,
      %get3A_150 = vector.shape_cast %get3A_149 : vector<1x16xf32> to vector<16xf32>
      %add3A_151 = arith.addf %add3A_137, %get3A_150 : vector<16xf32>
      %add3A_152 = arith.constant 8 : i32
      %add3A_153 = arith.addi %mul3A_33, %add3A_152 : i32
      %get3A_154 = arith.index_cast %add3A_153 : i32 to index
      %get3A_155 = arith.constant 16 : index
      %get3A_156 = tpu.vector_load %arg7[%get3A_154, %get3A_155] {strides = array<i32>} : memref<800x32xf32, #tpu.memory_space<vmem>>, vector<1x16xf32>,
      %get3A_157 = vector.shape_cast %get3A_156 : vector<1x16xf32> to vector<16xf32>
      %add3A_158 = arith.addf %add3A_144, %get3A_157 : vector<16xf32>
      %add3A_159 = arith.constant 9 : i32
      %add3A_160 = arith.addi %mul3A_33, %add3A_159 : i32
      %get3A_161 = arith.index_cast %add3A_160 : i32 to index
      %get3A_162 = arith.constant 0 : index
      %get3A_163 = tpu.vector_load %arg7[%get3A_161, %get3A_162] {strides = array<i32>} : memref<800x32xf32, #tpu.memory_space<vmem>>, vector<1x16xf32>,
      %get3A_164 = vector.shape_cast %get3A_163 : vector<1x16xf32> to vector<16xf32>
      %add3A_165 = arith.addf %add3A_151, %get3A_164 : vector<16xf32>
      %add3A_166 = arith.constant 9 : i32
      %add3A_167 = arith.addi %mul3A_33, %add3A_166 : i32
      %get3A_168 = arith.index_cast %add3A_167 : i32 to index
      %get3A_169 = arith.constant 16 : index
      %get3A_170 = tpu.vector_load %arg7[%get3A_168, %get3A_169] {strides = array<i32>} : memref<800x32xf32, #tpu.memory_space<vmem>>, vector<1x16xf32>,
      %get3A_171 = vector.shape_cast %get3A_170 : vector<1x16xf32> to vector<16xf32>
      %add3A_172 = arith.addf %add3A_158, %get3A_171 : vector<16xf32>
      %add3A_173 = arith.constant 10 : i32
      %add3A_174 = arith.addi %mul3A_33, %add3A_173 : i32
      %get3A_175 = arith.index_cast %add3A_174 : i32 to index
      %get3A_176 = arith.constant 0 : index
      %get3A_177 = tpu.vector_load %arg7[%get3A_175, %get3A_176] {strides = array<i32>} : memref<800x32xf32, #tpu.memory_space<vmem>>, vector<1x16xf32>,
      %get3A_178 = vector.shape_cast %get3A_177 : vector<1x16xf32> to vector<16xf32>
      %add3A_179 = arith.addf %add3A_165, %get3A_178 : vector<16xf32>
      %add3A_180 = arith.constant 10 : i32
      %add3A_181 = arith.addi %mul3A_33, %add3A_180 : i32
      %get3A_182 = arith.index_cast %add3A_181 : i32 to index
      %get3A_183 = arith.constant 16 : index
      %get3A_184 = tpu.vector_load %arg7[%get3A_182, %get3A_183] {strides = array<i32>} : memref<800x32xf32, #tpu.memory_space<vmem>>, vector<1x16xf32>,
      %get3A_185 = vector.shape_cast %get3A_184 : vector<1x16xf32> to vector<16xf32>
      %add3A_186 = arith.addf %add3A_172, %get3A_185 : vector<16xf32>
      %add3A_187 = arith.constant 11 : i32
      %add3A_188 = arith.addi %mul3A_33, %add3A_187 : i32
      %get3A_189 = arith.index_cast %add3A_188 : i32 to index
      %get3A_190 = arith.constant 0 : index
      %get3A_191 = tpu.vector_load %arg7[%get3A_189, %get3A_190] {strides = array<i32>} : memref<800x32xf32, #tpu.memory_space<vmem>>, vector<1x16xf32>,
      %get3A_192 = vector.shape_cast %get3A_191 : vector<1x16xf32> to vector<16xf32>
      %add3A_193 = arith.addf %add3A_179, %get3A_192 : vector<16xf32>
      %add3A_194 = arith.constant 11 : i32
      %add3A_195 = arith.addi %mul3A_33, %add3A_194 : i32
      %get3A_196 = arith.index_cast %add3A_195 : i32 to index
      %get3A_197 = arith.constant 16 : index
      %get3A_198 = tpu.vector_load %arg7[%get3A_196, %get3A_197] {strides = array<i32>} : memref<800x32xf32, #tpu.memory_space<vmem>>, vector<1x16xf32>,
      %get3A_199 = vector.shape_cast %get3A_198 : vector<1x16xf32> to vector<16xf32>
      %add3A_200 = arith.addf %add3A_186, %get3A_199 : vector<16xf32>
      %add3A_201 = arith.constant 12 : i32
      %add3A_202 = arith.addi %mul3A_33, %add3A_201 : i32
      %get3A_203 = arith.index_cast %add3A_202 : i32 to index
      %get3A_204 = arith.constant 0 : index
      %get3A_205 = tpu.vector_load %arg7[%get3A_203, %get3A_204] {strides = array<i32>} : memref<800x32xf32, #tpu.memory_space<vmem>>, vector<1x16xf32>,
      %get3A_206 = vector.shape_cast %get3A_205 : vector<1x16xf32> to vector<16xf32>
      %add3A_207 = arith.addf %add3A_193, %get3A_206 : vector<16xf32>
      %add3A_208 = arith.constant 12 : i32
      %add3A_209 = arith.addi %mul3A_33, %add3A_208 : i32
      %get3A_210 = arith.index_cast %add3A_209 : i32 to index
      %get3A_211 = arith.constant 16 : index
      %get3A_212 = tpu.vector_load %arg7[%get3A_210, %get3A_211] {strides = array<i32>} : memref<800x32xf32, #tpu.memory_space<vmem>>, vector<1x16xf32>,
      %get3A_213 = vector.shape_cast %get3A_212 : vector<1x16xf32> to vector<16xf32>
      %add3A_214 = arith.addf %add3A_200, %get3A_213 : vector<16xf32>
      %add3A_215 = arith.constant 13 : i32
      %add3A_216 = arith.addi %mul3A_33, %add3A_215 : i32
      %get3A_217 = arith.index_cast %add3A_216 : i32 to index
      %get3A_218 = arith.constant 0 : index
      %get3A_219 = tpu.vector_load %arg7[%get3A_217, %get3A_218] {strides = array<i32>} : memref<800x32xf32, #tpu.memory_space<vmem>>, vector<1x16xf32>,
      %get3A_220 = vector.shape_cast %get3A_219 : vector<1x16xf32> to vector<16xf32>
      %add3A_221 = arith.addf %add3A_207, %get3A_220 : vector<16xf32>
      %add3A_222 = arith.constant 13 : i32
      %add3A_223 = arith.addi %mul3A_33, %add3A_222 : i32
      %get3A_224 = arith.index_cast %add3A_223 : i32 to index
      %get3A_225 = arith.constant 16 : index
      %get3A_226 = tpu.vector_load %arg7[%get3A_224, %get3A_225] {strides = array<i32>} : memref<800x32xf32, #tpu.memory_space<vmem>>, vector<1x16xf32>,
      %get3A_227 = vector.shape_cast %get3A_226 : vector<1x16xf32> to vector<16xf32>
      %add3A_228 = arith.addf %add3A_214, %get3A_227 : vector<16xf32>
      %add3A_229 = arith.constant 14 : i32
      %add3A_230 = arith.addi %mul3A_33, %add3A_229 : i32
      %get3A_231 = arith.index_cast %add3A_230 : i32 to index
      %get3A_232 = arith.constant 0 : index
      %get3A_233 = tpu.vector_load %arg7[%get3A_231, %get3A_232] {strides = array<i32>} : memref<800x32xf32, #tpu.memory_space<vmem>>, vector<1x16xf32>,
      %get3A_234 = vector.shape_cast %get3A_233 : vector<1x16xf32> to vector<16xf32>
      %add3A_235 = arith.addf %add3A_221, %get3A_234 : vector<16xf32>
      %add3A_236 = arith.constant 14 : i32
      %add3A_237 = arith.addi %mul3A_33, %add3A_236 : i32
      %get3A_238 = arith.index_cast %add3A_237 : i32 to index
      %get3A_239 = arith.constant 16 : index
      %get3A_240 = tpu.vector_load %arg7[%get3A_238, %get3A_239] {strides = array<i32>} : memref<800x32xf32, #tpu.memory_space<vmem>>, vector<1x16xf32>,
      %get3A_241 = vector.shape_cast %get3A_240 : vector<1x16xf32> to vector<16xf32>
      %add3A_242 = arith.addf %add3A_228, %get3A_241 : vector<16xf32>
      %add3A_243 = arith.constant 15 : i32
      %add3A_244 = arith.addi %mul3A_33, %add3A_243 : i32
      %get3A_245 = arith.index_cast %add3A_244 : i32 to index
      %get3A_246 = arith.constant 0 : index
      %get3A_247 = tpu.vector_load %arg7[%get3A_245, %get3A_246] {strides = array<i32>} : memref<800x32xf32, #tpu.memory_space<vmem>>, vector<1x16xf32>,
      %get3A_248 = vector.shape_cast %get3A_247 : vector<1x16xf32> to vector<16xf32>
      %add3A_249 = arith.addf %add3A_235, %get3A_248 : vector<16xf32>
      %add3A_250 = arith.constant 15 : i32
      %add3A_251 = arith.addi %mul3A_33, %add3A_250 : i32
      %get3A_252 = arith.index_cast %add3A_251 : i32 to index
      %get3A_253 = arith.constant 16 : index
      %get3A_254 = tpu.vector_load %arg7[%get3A_252, %get3A_253] {strides = array<i32>} : memref<800x32xf32, #tpu.memory_space<vmem>>, vector<1x16xf32>,
      %get3A_255 = vector.shape_cast %get3A_254 : vector<1x16xf32> to vector<16xf32>
      %add3A_256 = arith.addf %add3A_242, %get3A_255 : vector<16xf32>
      %add3A_257 = arith.constant 16 : i32
      %add3A_258 = arith.addi %mul3A_33, %add3A_257 : i32
      %get3A_259 = arith.index_cast %add3A_258 : i32 to index
      %get3A_260 = arith.constant 0 : index
      %get3A_261 = tpu.vector_load %arg7[%get3A_259, %get3A_260] {strides = array<i32>} : memref<800x32xf32, #tpu.memory_space<vmem>>, vector<1x16xf32>,
      %get3A_262 = vector.shape_cast %get3A_261 : vector<1x16xf32> to vector<16xf32>
      %add3A_263 = arith.addf %add3A_249, %get3A_262 : vector<16xf32>
      %add3A_264 = arith.constant 16 : i32
      %add3A_265 = arith.addi %mul3A_33, %add3A_264 : i32
      %get3A_266 = arith.index_cast %add3A_265 : i32 to index
      %get3A_267 = arith.constant 16 : index
      %get3A_268 = tpu.vector_load %arg7[%get3A_266, %get3A_267] {strides = array<i32>} : memref<800x32xf32, #tpu.memory_space<vmem>>, vector<1x16xf32>,
      %get3A_269 = vector.shape_cast %get3A_268 : vector<1x16xf32> to vector<16xf32>
      %add3A_270 = arith.addf %add3A_256, %get3A_269 : vector<16xf32>
      %add3A_271 = arith.constant 17 : i32
      %add3A_272 = arith.addi %mul3A_33, %add3A_271 : i32
      %get3A_273 = arith.index_cast %add3A_272 : i32 to index
      %get3A_274 = arith.constant 0 : index
      %get3A_275 = tpu.vector_load %arg7[%get3A_273, %get3A_274] {strides = array<i32>} : memref<800x32xf32, #tpu.memory_space<vmem>>, vector<1x16xf32>,
      %get3A_276 = vector.shape_cast %get3A_275 : vector<1x16xf32> to vector<16xf32>
      %add3A_277 = arith.addf %add3A_263, %get3A_276 : vector<16xf32>
      %add3A_278 = arith.constant 17 : i32
      %add3A_279 = arith.addi %mul3A_33, %add3A_278 : i32
      %get3A_280 = arith.index_cast %add3A_279 : i32 to index
      %get3A_281 = arith.constant 16 : index
      %get3A_282 = tpu.vector_load %arg7[%get3A_280, %get3A_281] {strides = array<i32>} : memref<800x32xf32, #tpu.memory_space<vmem>>, vector<1x16xf32>,
      %get3A_283 = vector.shape_cast %get3A_282 : vector<1x16xf32> to vector<16xf32>
      %add3A_284 = arith.addf %add3A_270, %get3A_283 : vector<16xf32>
      %add3A_285 = arith.constant 18 : i32
      %add3A_286 = arith.addi %mul3A_33, %add3A_285 : i32
      %get3A_287 = arith.index_cast %add3A_286 : i32 to index
      %get3A_288 = arith.constant 0 : index
      %get3A_289 = tpu.vector_load %arg7[%get3A_287, %get3A_288] {strides = array<i32>} : memref<800x32xf32, #tpu.memory_space<vmem>>, vector<1x16xf32>,
      %get3A_290 = vector.shape_cast %get3A_289 : vector<1x16xf32> to vector<16xf32>
      %add3A_291 = arith.addf %add3A_277, %get3A_290 : vector<16xf32>
      %add3A_292 = arith.constant 18 : i32
      %add3A_293 = arith.addi %mul3A_33, %add3A_292 : i32
      %get3A_294 = arith.index_cast %add3A_293 : i32 to index
      %get3A_295 = arith.constant 16 : index
      %get3A_296 = tpu.vector_load %arg7[%get3A_294, %get3A_295] {strides = array<i32>} : memref<800x32xf32, #tpu.memory_space<vmem>>, vector<1x16xf32>,
      %get3A_297 = vector.shape_cast %get3A_296 : vector<1x16xf32> to vector<16xf32>
      %add3A_298 = arith.addf %add3A_284, %get3A_297 : vector<16xf32>
      %add3A_299 = arith.constant 19 : i32
      %add3A_300 = arith.addi %mul3A_33, %add3A_299 : i32
      %get3A_301 = arith.index_cast %add3A_300 : i32 to index
      %get3A_302 = arith.constant 0 : index
      %get3A_303 = tpu.vector_load %arg7[%get3A_301, %get3A_302] {strides = array<i32>} : memref<800x32xf32, #tpu.memory_space<vmem>>, vector<1x16xf32>,
      %get3A_304 = vector.shape_cast %get3A_303 : vector<1x16xf32> to vector<16xf32>
      %add3A_305 = arith.addf %add3A_291, %get3A_304 : vector<16xf32>
      %add3A_306 = arith.constant 19 : i32
      %add3A_307 = arith.addi %mul3A_33, %add3A_306 : i32
      %get3A_308 = arith.index_cast %add3A_307 : i32 to index
      %get3A_309 = arith.constant 16 : index
      %get3A_310 = tpu.vector_load %arg7[%get3A_308, %get3A_309] {strides = array<i32>} : memref<800x32xf32, #tpu.memory_space<vmem>>, vector<1x16xf32>,
      %get3A_311 = vector.shape_cast %get3A_310 : vector<1x16xf32> to vector<16xf32>
      %add3A_312 = arith.addf %add3A_298, %get3A_311 : vector<16xf32>
      %add3A_313 = arith.constant 20 : i32
      %add3A_314 = arith.addi %mul3A_33, %add3A_313 : i32
      %get3A_315 = arith.index_cast %add3A_314 : i32 to index
      %get3A_316 = arith.constant 0 : index
      %get3A_317 = tpu.vector_load %arg7[%get3A_315, %get3A_316] {strides = array<i32>} : memref<800x32xf32, #tpu.memory_space<vmem>>, vector<1x16xf32>,
      %get3A_318 = vector.shape_cast %get3A_317 : vector<1x16xf32> to vector<16xf32>
      %add3A_319 = arith.addf %add3A_305, %get3A_318 : vector<16xf32>
      %add3A_320 = arith.constant 20 : i32
      %add3A_321 = arith.addi %mul3A_33, %add3A_320 : i32
      %get3A_322 = arith.index_cast %add3A_321 : i32 to index
      %get3A_323 = arith.constant 16 : index
      %get3A_324 = tpu.vector_load %arg7[%get3A_322, %get3A_323] {strides = array<i32>} : memref<800x32xf32, #tpu.memory_space<vmem>>, vector<1x16xf32>,
      %get3A_325 = vector.shape_cast %get3A_324 : vector<1x16xf32> to vector<16xf32>
      %add3A_326 = arith.addf %add3A_312, %get3A_325 : vector<16xf32>
      %add3A_327 = arith.constant 21 : i32
      %add3A_328 = arith.addi %mul3A_33, %add3A_327 : i32
      %get3A_329 = arith.index_cast %add3A_328 : i32 to index
      %get3A_330 = arith.constant 0 : index
      %get3A_331 = tpu.vector_load %arg7[%get3A_329, %get3A_330] {strides = array<i32>} : memref<800x32xf32, #tpu.memory_space<vmem>>, vector<1x16xf32>,
      %get3A_332 = vector.shape_cast %get3A_331 : vector<1x16xf32> to vector<16xf32>
      %add3A_333 = arith.addf %add3A_319, %get3A_332 : vector<16xf32>
      %add3A_334 = arith.constant 21 : i32
      %add3A_335 = arith.addi %mul3A_33, %add3A_334 : i32
      %get3A_336 = arith.index_cast %add3A_335 : i32 to index
      %get3A_337 = arith.constant 16 : index
      %get3A_338 = tpu.vector_load %arg7[%get3A_336, %get3A_337] {strides = array<i32>} : memref<800x32xf32, #tpu.memory_space<vmem>>, vector<1x16xf32>,
      %get3A_339 = vector.shape_cast %get3A_338 : vector<1x16xf32> to vector<16xf32>
      %add3A_340 = arith.addf %add3A_326, %get3A_339 : vector<16xf32>
      %add3A_341 = arith.constant 22 : i32
      %add3A_342 = arith.addi %mul3A_33, %add3A_341 : i32
      %get3A_343 = arith.index_cast %add3A_342 : i32 to index
      %get3A_344 = arith.constant 0 : index
      %get3A_345 = tpu.vector_load %arg7[%get3A_343, %get3A_344] {strides = array<i32>} : memref<800x32xf32, #tpu.memory_space<vmem>>, vector<1x16xf32>,
      %get3A_346 = vector.shape_cast %get3A_345 : vector<1x16xf32> to vector<16xf32>
      %add3A_347 = arith.addf %add3A_333, %get3A_346 : vector<16xf32>
      %add3A_348 = arith.constant 22 : i32
      %add3A_349 = arith.addi %mul3A_33, %add3A_348 : i32
      %get3A_350 = arith.index_cast %add3A_349 : i32 to index
      %get3A_351 = arith.constant 16 : index
      %get3A_352 = tpu.vector_load %arg7[%get3A_350, %get3A_351] {strides = array<i32>} : memref<800x32xf32, #tpu.memory_space<vmem>>, vector<1x16xf32>,
      %get3A_353 = vector.shape_cast %get3A_352 : vector<1x16xf32> to vector<16xf32>
      %add3A_354 = arith.addf %add3A_340, %get3A_353 : vector<16xf32>
      %add3A_355 = arith.constant 23 : i32
      %add3A_356 = arith.addi %mul3A_33, %add3A_355 : i32
      %get3A_357 = arith.index_cast %add3A_356 : i32 to index
      %get3A_358 = arith.constant 0 : index
      %get3A_359 = tpu.vector_load %arg7[%get3A_357, %get3A_358] {strides = array<i32>} : memref<800x32xf32, #tpu.memory_space<vmem>>, vector<1x16xf32>,
      %get3A_360 = vector.shape_cast %get3A_359 : vector<1x16xf32> to vector<16xf32>
      %add3A_361 = arith.addf %add3A_347, %get3A_360 : vector<16xf32>
      %add3A_362 = arith.constant 23 : i32
      %add3A_363 = arith.addi %mul3A_33, %add3A_362 : i32
      %get3A_364 = arith.index_cast %add3A_363 : i32 to index
      %get3A_365 = arith.constant 16 : index
      %get3A_366 = tpu.vector_load %arg7[%get3A_364, %get3A_365] {strides = array<i32>} : memref<800x32xf32, #tpu.memory_space<vmem>>, vector<1x16xf32>,
      %get3A_367 = vector.shape_cast %get3A_366 : vector<1x16xf32> to vector<16xf32>
      %add3A_368 = arith.addf %add3A_354, %get3A_367 : vector<16xf32>
      %add3A_369 = arith.constant 24 : i32
      %add3A_370 = arith.addi %mul3A_33, %add3A_369 : i32
      %get3A_371 = arith.index_cast %add3A_370 : i32 to index
      %get3A_372 = arith.constant 0 : index
      %get3A_373 = tpu.vector_load %arg7[%get3A_371, %get3A_372] {strides = array<i32>} : memref<800x32xf32, #tpu.memory_space<vmem>>, vector<1x16xf32>,
      %get3A_374 = vector.shape_cast %get3A_373 : vector<1x16xf32> to vector<16xf32>
      %add3A_375 = arith.addf %add3A_361, %get3A_374 : vector<16xf32>
      %add3A_376 = arith.constant 24 : i32
      %add3A_377 = arith.addi %mul3A_33, %add3A_376 : i32
      %get3A_378 = arith.index_cast %add3A_377 : i32 to index
      %get3A_379 = arith.constant 16 : index
      %get3A_380 = tpu.vector_load %arg7[%get3A_378, %get3A_379] {strides = array<i32>} : memref<800x32xf32, #tpu.memory_space<vmem>>, vector<1x16xf32>,
      %get3A_381 = vector.shape_cast %get3A_380 : vector<1x16xf32> to vector<16xf32>
      %add3A_382 = arith.addf %add3A_368, %get3A_381 : vector<16xf32>
      %add3A_383 = arith.constant 25 : i32
      %add3A_384 = arith.addi %mul3A_33, %add3A_383 : i32
      %get3A_385 = arith.index_cast %add3A_384 : i32 to index
      %get3A_386 = arith.constant 0 : index
      %get3A_387 = tpu.vector_load %arg7[%get3A_385, %get3A_386] {strides = array<i32>} : memref<800x32xf32, #tpu.memory_space<vmem>>, vector<1x16xf32>,
      %get3A_388 = vector.shape_cast %get3A_387 : vector<1x16xf32> to vector<16xf32>
      %add3A_389 = arith.addf %add3A_375, %get3A_388 : vector<16xf32>
      %add3A_390 = arith.constant 25 : i32
      %add3A_391 = arith.addi %mul3A_33, %add3A_390 : i32
      %get3A_392 = arith.index_cast %add3A_391 : i32 to index
      %get3A_393 = arith.constant 16 : index
      %get3A_394 = tpu.vector_load %arg7[%get3A_392, %get3A_393] {strides = array<i32>} : memref<800x32xf32, #tpu.memory_space<vmem>>, vector<1x16xf32>,
      %get3A_395 = vector.shape_cast %get3A_394 : vector<1x16xf32> to vector<16xf32>
      %add3A_396 = arith.addf %add3A_382, %get3A_395 : vector<16xf32>
      %add3A_397 = arith.constant 26 : i32
      %add3A_398 = arith.addi %mul3A_33, %add3A_397 : i32
      %get3A_399 = arith.index_cast %add3A_398 : i32 to index
      %get3A_400 = arith.constant 0 : index
      %get3A_401 = tpu.vector_load %arg7[%get3A_399, %get3A_400] {strides = array<i32>} : memref<800x32xf32, #tpu.memory_space<vmem>>, vector<1x16xf32>,
      %get3A_402 = vector.shape_cast %get3A_401 : vector<1x16xf32> to vector<16xf32>
      %add3A_403 = arith.addf %add3A_389, %get3A_402 : vector<16xf32>
      %add3A_404 = arith.constant 26 : i32
      %add3A_405 = arith.addi %mul3A_33, %add3A_404 : i32
      %get3A_406 = arith.index_cast %add3A_405 : i32 to index
      %get3A_407 = arith.constant 16 : index
      %get3A_408 = tpu.vector_load %arg7[%get3A_406, %get3A_407] {strides = array<i32>} : memref<800x32xf32, #tpu.memory_space<vmem>>, vector<1x16xf32>,
      %get3A_409 = vector.shape_cast %get3A_408 : vector<1x16xf32> to vector<16xf32>
      %add3A_410 = arith.addf %add3A_396, %get3A_409 : vector<16xf32>
      %add3A_411 = arith.constant 27 : i32
      %add3A_412 = arith.addi %mul3A_33, %add3A_411 : i32
      %get3A_413 = arith.index_cast %add3A_412 : i32 to index
      %get3A_414 = arith.constant 0 : index
      %get3A_415 = tpu.vector_load %arg7[%get3A_413, %get3A_414] {strides = array<i32>} : memref<800x32xf32, #tpu.memory_space<vmem>>, vector<1x16xf32>,
      %get3A_416 = vector.shape_cast %get3A_415 : vector<1x16xf32> to vector<16xf32>
      %add3A_417 = arith.addf %add3A_403, %get3A_416 : vector<16xf32>
      %add3A_418 = arith.constant 27 : i32
      %add3A_419 = arith.addi %mul3A_33, %add3A_418 : i32
      %get3A_420 = arith.index_cast %add3A_419 : i32 to index
      %get3A_421 = arith.constant 16 : index
      %get3A_422 = tpu.vector_load %arg7[%get3A_420, %get3A_421] {strides = array<i32>} : memref<800x32xf32, #tpu.memory_space<vmem>>, vector<1x16xf32>,
      %get3A_423 = vector.shape_cast %get3A_422 : vector<1x16xf32> to vector<16xf32>
      %add3A_424 = arith.addf %add3A_410, %get3A_423 : vector<16xf32>
      %add3A_425 = arith.constant 28 : i32
      %add3A_426 = arith.addi %mul3A_33, %add3A_425 : i32
      %get3A_427 = arith.index_cast %add3A_426 : i32 to index
      %get3A_428 = arith.constant 0 : index
      %get3A_429 = tpu.vector_load %arg7[%get3A_427, %get3A_428] {strides = array<i32>} : memref<800x32xf32, #tpu.memory_space<vmem>>, vector<1x16xf32>,
      %get3A_430 = vector.shape_cast %get3A_429 : vector<1x16xf32> to vector<16xf32>
      %add3A_431 = arith.addf %add3A_417, %get3A_430 : vector<16xf32>
      %add3A_432 = arith.constant 28 : i32
      %add3A_433 = arith.addi %mul3A_33, %add3A_432 : i32
      %get3A_434 = arith.index_cast %add3A_433 : i32 to index
      %get3A_435 = arith.constant 16 : index
      %get3A_436 = tpu.vector_load %arg7[%get3A_434, %get3A_435] {strides = array<i32>} : memref<800x32xf32, #tpu.memory_space<vmem>>, vector<1x16xf32>,
      %get3A_437 = vector.shape_cast %get3A_436 : vector<1x16xf32> to vector<16xf32>
      %add3A_438 = arith.addf %add3A_424, %get3A_437 : vector<16xf32>
      %add3A_439 = arith.constant 29 : i32
      %add3A_440 = arith.addi %mul3A_33, %add3A_439 : i32
      %get3A_441 = arith.index_cast %add3A_440 : i32 to index
      %get3A_442 = arith.constant 0 : index
      %get3A_443 = tpu.vector_load %arg7[%get3A_441, %get3A_442] {strides = array<i32>} : memref<800x32xf32, #tpu.memory_space<vmem>>, vector<1x16xf32>,
      %get3A_444 = vector.shape_cast %get3A_443 : vector<1x16xf32> to vector<16xf32>
      %add3A_445 = arith.addf %add3A_431, %get3A_444 : vector<16xf32>
      %add3A_446 = arith.constant 29 : i32
      %add3A_447 = arith.addi %mul3A_33, %add3A_446 : i32
      %get3A_448 = arith.index_cast %add3A_447 : i32 to index
      %get3A_449 = arith.constant 16 : index
      %get3A_450 = tpu.vector_load %arg7[%get3A_448, %get3A_449] {strides = array<i32>} : memref<800x32xf32, #tpu.memory_space<vmem>>, vector<1x16xf32>,
      %get3A_451 = vector.shape_cast %get3A_450 : vector<1x16xf32> to vector<16xf32>
      %add3A_452 = arith.addf %add3A_438, %get3A_451 : vector<16xf32>
      %add3A_453 = arith.constant 30 : i32
      %add3A_454 = arith.addi %mul3A_33, %add3A_453 : i32
      %get3A_455 = arith.index_cast %add3A_454 : i32 to index
      %get3A_456 = arith.constant 0 : index
      %get3A_457 = tpu.vector_load %arg7[%get3A_455, %get3A_456] {strides = array<i32>} : memref<800x32xf32, #tpu.memory_space<vmem>>, vector<1x16xf32>,
      %get3A_458 = vector.shape_cast %get3A_457 : vector<1x16xf32> to vector<16xf32>
      %add3A_459 = arith.addf %add3A_445, %get3A_458 : vector<16xf32>
      %add3A_460 = arith.constant 30 : i32
      %add3A_461 = arith.addi %mul3A_33, %add3A_460 : i32
      %get3A_462 = arith.index_cast %add3A_461 : i32 to index
      %get3A_463 = arith.constant 16 : index
      %get3A_464 = tpu.vector_load %arg7[%get3A_462, %get3A_463] {strides = array<i32>} : memref<800x32xf32, #tpu.memory_space<vmem>>, vector<1x16xf32>,
      %get3A_465 = vector.shape_cast %get3A_464 : vector<1x16xf32> to vector<16xf32>
      %add3A_466 = arith.addf %add3A_452, %get3A_465 : vector<16xf32>
      %add3A_467 = arith.constant 31 : i32
      %add3A_468 = arith.addi %mul3A_33, %add3A_467 : i32
      %get3A_469 = arith.index_cast %add3A_468 : i32 to index
      %get3A_470 = arith.constant 0 : index
      %get3A_471 = tpu.vector_load %arg7[%get3A_469, %get3A_470] {strides = array<i32>} : memref<800x32xf32, #tpu.memory_space<vmem>>, vector<1x16xf32>,
      %get3A_472 = vector.shape_cast %get3A_471 : vector<1x16xf32> to vector<16xf32>
      %add3A_473 = arith.addf %add3A_459, %get3A_472 : vector<16xf32>
      %add3A_474 = arith.constant 31 : i32
      %add3A_475 = arith.addi %mul3A_33, %add3A_474 : i32
      %get3A_476 = arith.index_cast %add3A_475 : i32 to index
      %get3A_477 = arith.constant 16 : index
      %get3A_478 = tpu.vector_load %arg7[%get3A_476, %get3A_477] {strides = array<i32>} : memref<800x32xf32, #tpu.memory_space<vmem>>, vector<1x16xf32>,
      %get3A_479 = vector.shape_cast %get3A_478 : vector<1x16xf32> to vector<16xf32>
      %add3A_480 = arith.addf %add3A_466, %get3A_479 : vector<16xf32>
      %add3A_481 = arith.constant 32 : i32
      %add3A_482 = arith.addi %mul3A_33, %add3A_481 : i32
      %get3A_483 = arith.index_cast %add3A_482 : i32 to index
      %get3A_484 = arith.constant 0 : index
      %get3A_485 = tpu.vector_load %arg7[%get3A_483, %get3A_484] {strides = array<i32>} : memref<800x32xf32, #tpu.memory_space<vmem>>, vector<1x16xf32>,
      %get3A_486 = vector.shape_cast %get3A_485 : vector<1x16xf32> to vector<16xf32>
      %add3A_487 = arith.addf %add3A_473, %get3A_486 : vector<16xf32>
      %add3A_488 = arith.constant 32 : i32
      %add3A_489 = arith.addi %mul3A_33, %add3A_488 : i32
      %get3A_490 = arith.index_cast %add3A_489 : i32 to index
      %get3A_491 = arith.constant 16 : index
      %get3A_492 = tpu.vector_load %arg7[%get3A_490, %get3A_491] {strides = array<i32>} : memref<800x32xf32, #tpu.memory_space<vmem>>, vector<1x16xf32>,
      %get3A_493 = vector.shape_cast %get3A_492 : vector<1x16xf32> to vector<16xf32>
      %add3A_494 = arith.addf %add3A_480, %get3A_493 : vector<16xf32>
      %add3A_495 = arith.constant 33 : i32
      %add3A_496 = arith.addi %mul3A_33, %add3A_495 : i32
      %get3A_497 = arith.index_cast %add3A_496 : i32 to index
      %get3A_498 = arith.constant 0 : index
      %get3A_499 = tpu.vector_load %arg7[%get3A_497, %get3A_498] {strides = array<i32>} : memref<800x32xf32, #tpu.memory_space<vmem>>, vector<1x16xf32>,
      %get3A_500 = vector.shape_cast %get3A_499 : vector<1x16xf32> to vector<16xf32>
      %add3A_501 = arith.addf %add3A_487, %get3A_500 : vector<16xf32>
      %add3A_502 = arith.constant 33 : i32
      %add3A_503 = arith.addi %mul3A_33, %add3A_502 : i32
      %get3A_504 = arith.index_cast %add3A_503 : i32 to index
      %get3A_505 = arith.constant 16 : index
      %get3A_506 = tpu.vector_load %arg7[%get3A_504, %get3A_505] {strides = array<i32>} : memref<800x32xf32, #tpu.memory_space<vmem>>, vector<1x16xf32>,
      %get3A_507 = vector.shape_cast %get3A_506 : vector<1x16xf32> to vector<16xf32>
      %add3A_508 = arith.addf %add3A_494, %get3A_507 : vector<16xf32>
      %add3A_509 = arith.constant 34 : i32
      %add3A_510 = arith.addi %mul3A_33, %add3A_509 : i32
      %get3A_511 = arith.index_cast %add3A_510 : i32 to index
      %get3A_512 = arith.constant 0 : index
      %get3A_513 = tpu.vector_load %arg7[%get3A_511, %get3A_512] {strides = array<i32>} : memref<800x32xf32, #tpu.memory_space<vmem>>, vector<1x16xf32>,
      %get3A_514 = vector.shape_cast %get3A_513 : vector<1x16xf32> to vector<16xf32>
      %add3A_515 = arith.addf %add3A_501, %get3A_514 : vector<16xf32>
      %add3A_516 = arith.constant 34 : i32
      %add3A_517 = arith.addi %mul3A_33, %add3A_516 : i32
      %get3A_518 = arith.index_cast %add3A_517 : i32 to index
      %get3A_519 = arith.constant 16 : index
      %get3A_520 = tpu.vector_load %arg7[%get3A_518, %get3A_519] {strides = array<i32>} : memref<800x32xf32, #tpu.memory_space<vmem>>, vector<1x16xf32>,
      %get3A_521 = vector.shape_cast %get3A_520 : vector<1x16xf32> to vector<16xf32>
      %add3A_522 = arith.addf %add3A_508, %get3A_521 : vector<16xf32>
      %add3A_523 = arith.constant 35 : i32
      %add3A_524 = arith.addi %mul3A_33, %add3A_523 : i32
      %get3A_525 = arith.index_cast %add3A_524 : i32 to index
      %get3A_526 = arith.constant 0 : index
      %get3A_527 = tpu.vector_load %arg7[%get3A_525, %get3A_526] {strides = array<i32>} : memref<800x32xf32, #tpu.memory_space<vmem>>, vector<1x16xf32>,
      %get3A_528 = vector.shape_cast %get3A_527 : vector<1x16xf32> to vector<16xf32>
      %add3A_529 = arith.addf %add3A_515, %get3A_528 : vector<16xf32>
      %add3A_530 = arith.constant 35 : i32
      %add3A_531 = arith.addi %mul3A_33, %add3A_530 : i32
      %get3A_532 = arith.index_cast %add3A_531 : i32 to index
      %get3A_533 = arith.constant 16 : index
      %get3A_534 = tpu.vector_load %arg7[%get3A_532, %get3A_533] {strides = array<i32>} : memref<800x32xf32, #tpu.memory_space<vmem>>, vector<1x16xf32>,
      %get3A_535 = vector.shape_cast %get3A_534 : vector<1x16xf32> to vector<16xf32>
      %add3A_536 = arith.addf %add3A_522, %get3A_535 : vector<16xf32>
      %add3A_537 = arith.constant 36 : i32
      %add3A_538 = arith.addi %mul3A_33, %add3A_537 : i32
      %get3A_539 = arith.index_cast %add3A_538 : i32 to index
      %get3A_540 = arith.constant 0 : index
      %get3A_541 = tpu.vector_load %arg7[%get3A_539, %get3A_540] {strides = array<i32>} : memref<800x32xf32, #tpu.memory_space<vmem>>, vector<1x16xf32>,
      %get3A_542 = vector.shape_cast %get3A_541 : vector<1x16xf32> to vector<16xf32>
      %add3A_543 = arith.addf %add3A_529, %get3A_542 : vector<16xf32>
      %add3A_544 = arith.constant 36 : i32
      %add3A_545 = arith.addi %mul3A_33, %add3A_544 : i32
      %get3A_546 = arith.index_cast %add3A_545 : i32 to index
      %get3A_547 = arith.constant 16 : index
      %get3A_548 = tpu.vector_load %arg7[%get3A_546, %get3A_547] {strides = array<i32>} : memref<800x32xf32, #tpu.memory_space<vmem>>, vector<1x16xf32>,
      %get3A_549 = vector.shape_cast %get3A_548 : vector<1x16xf32> to vector<16xf32>
      %add3A_550 = arith.addf %add3A_536, %get3A_549 : vector<16xf32>
      %add3A_551 = arith.constant 37 : i32
      %add3A_552 = arith.addi %mul3A_33, %add3A_551 : i32
      %get3A_553 = arith.index_cast %add3A_552 : i32 to index
      %get3A_554 = arith.constant 0 : index
      %get3A_555 = tpu.vector_load %arg7[%get3A_553, %get3A_554] {strides = array<i32>} : memref<800x32xf32, #tpu.memory_space<vmem>>, vector<1x16xf32>,
      %get3A_556 = vector.shape_cast %get3A_555 : vector<1x16xf32> to vector<16xf32>
      %add3A_557 = arith.addf %add3A_543, %get3A_556 : vector<16xf32>
      %add3A_558 = arith.constant 37 : i32
      %add3A_559 = arith.addi %mul3A_33, %add3A_558 : i32
      %get3A_560 = arith.index_cast %add3A_559 : i32 to index
      %get3A_561 = arith.constant 16 : index
      %get3A_562 = tpu.vector_load %arg7[%get3A_560, %get3A_561] {strides = array<i32>} : memref<800x32xf32, #tpu.memory_space<vmem>>, vector<1x16xf32>,
      %get3A_563 = vector.shape_cast %get3A_562 : vector<1x16xf32> to vector<16xf32>
      %add3A_564 = arith.addf %add3A_550, %get3A_563 : vector<16xf32>
      %add3A_565 = arith.constant 38 : i32
      %add3A_566 = arith.addi %mul3A_33, %add3A_565 : i32
      %get3A_567 = arith.index_cast %add3A_566 : i32 to index
      %get3A_568 = arith.constant 0 : index
      %get3A_569 = tpu.vector_load %arg7[%get3A_567, %get3A_568] {strides = array<i32>} : memref<800x32xf32, #tpu.memory_space<vmem>>, vector<1x16xf32>,
      %get3A_570 = vector.shape_cast %get3A_569 : vector<1x16xf32> to vector<16xf32>
      %add3A_571 = arith.addf %add3A_557, %get3A_570 : vector<16xf32>
      %add3A_572 = arith.constant 38 : i32
      %add3A_573 = arith.addi %mul3A_33, %add3A_572 : i32
      %get3A_574 = arith.index_cast %add3A_573 : i32 to index
      %get3A_575 = arith.constant 16 : index
      %get3A_576 = tpu.vector_load %arg7[%get3A_574, %get3A_575] {strides = array<i32>} : memref<800x32xf32, #tpu.memory_space<vmem>>, vector<1x16xf32>,
      %get3A_577 = vector.shape_cast %get3A_576 : vector<1x16xf32> to vector<16xf32>
      %add3A_578 = arith.addf %add3A_564, %get3A_577 : vector<16xf32>
      %add3A_579 = arith.constant 39 : i32
      %add3A_580 = arith.addi %mul3A_33, %add3A_579 : i32
      %get3A_581 = arith.index_cast %add3A_580 : i32 to index
      %get3A_582 = arith.constant 0 : index
      %get3A_583 = tpu.vector_load %arg7[%get3A_581, %get3A_582] {strides = array<i32>} : memref<800x32xf32, #tpu.memory_space<vmem>>, vector<1x16xf32>,
      %get3A_584 = vector.shape_cast %get3A_583 : vector<1x16xf32> to vector<16xf32>
      %add3A_585 = arith.addf %add3A_571, %get3A_584 : vector<16xf32>
      %add3A_586 = arith.constant 39 : i32
      %add3A_587 = arith.addi %mul3A_33, %add3A_586 : i32
      %get3A_588 = arith.index_cast %add3A_587 : i32 to index
      %get3A_589 = arith.constant 16 : index
      %get3A_590 = tpu.vector_load %arg7[%get3A_588, %get3A_589] {strides = array<i32>} : memref<800x32xf32, #tpu.memory_space<vmem>>, vector<1x16xf32>,
      %get3A_591 = vector.shape_cast %get3A_590 : vector<1x16xf32> to vector<16xf32>
      %add3A_592 = arith.addf %add3A_578, %get3A_591 : vector<16xf32>
      %add3A_593 = arith.constant 40 : i32
      %add3A_594 = arith.addi %mul3A_33, %add3A_593 : i32
      %get3A_595 = arith.index_cast %add3A_594 : i32 to index
      %get3A_596 = arith.constant 0 : index
      %get3A_597 = tpu.vector_load %arg7[%get3A_595, %get3A_596] {strides = array<i32>} : memref<800x32xf32, #tpu.memory_space<vmem>>, vector<1x16xf32>,
      %get3A_598 = vector.shape_cast %get3A_597 : vector<1x16xf32> to vector<16xf32>
      %add3A_599 = arith.addf %add3A_585, %get3A_598 : vector<16xf32>
      %add3A_600 = arith.constant 40 : i32
      %add3A_601 = arith.addi %mul3A_33, %add3A_600 : i32
      %get3A_602 = arith.index_cast %add3A_601 : i32 to index
      %get3A_603 = arith.constant 16 : index
      %get3A_604 = tpu.vector_load %arg7[%get3A_602, %get3A_603] {strides = array<i32>} : memref<800x32xf32, #tpu.memory_space<vmem>>, vector<1x16xf32>,
      %get3A_605 = vector.shape_cast %get3A_604 : vector<1x16xf32> to vector<16xf32>
      %add3A_606 = arith.addf %add3A_592, %get3A_605 : vector<16xf32>
      %add3A_607 = arith.constant 41 : i32
      %add3A_608 = arith.addi %mul3A_33, %add3A_607 : i32
      %get3A_609 = arith.index_cast %add3A_608 : i32 to index
      %get3A_610 = arith.constant 0 : index
      %get3A_611 = tpu.vector_load %arg7[%get3A_609, %get3A_610] {strides = array<i32>} : memref<800x32xf32, #tpu.memory_space<vmem>>, vector<1x16xf32>,
      %get3A_612 = vector.shape_cast %get3A_611 : vector<1x16xf32> to vector<16xf32>
      %add3A_613 = arith.addf %add3A_599, %get3A_612 : vector<16xf32>
      %add3A_614 = arith.constant 41 : i32
      %add3A_615 = arith.addi %mul3A_33, %add3A_614 : i32
      %get3A_616 = arith.index_cast %add3A_615 : i32 to index
      %get3A_617 = arith.constant 16 : index
      %get3A_618 = tpu.vector_load %arg7[%get3A_616, %get3A_617] {strides = array<i32>} : memref<800x32xf32, #tpu.memory_space<vmem>>, vector<1x16xf32>,
      %get3A_619 = vector.shape_cast %get3A_618 : vector<1x16xf32> to vector<16xf32>
      %add3A_620 = arith.addf %add3A_606, %get3A_619 : vector<16xf32>
      %add3A_621 = arith.constant 42 : i32
      %add3A_622 = arith.addi %mul3A_33, %add3A_621 : i32
      %get3A_623 = arith.index_cast %add3A_622 : i32 to index
      %get3A_624 = arith.constant 0 : index
      %get3A_625 = tpu.vector_load %arg7[%get3A_623, %get3A_624] {strides = array<i32>} : memref<800x32xf32, #tpu.memory_space<vmem>>, vector<1x16xf32>,
      %get3A_626 = vector.shape_cast %get3A_625 : vector<1x16xf32> to vector<16xf32>
      %add3A_627 = arith.addf %add3A_613, %get3A_626 : vector<16xf32>
      %add3A_628 = arith.constant 42 : i32
      %add3A_629 = arith.addi %mul3A_33, %add3A_628 : i32
      %get3A_630 = arith.index_cast %add3A_629 : i32 to index
      %get3A_631 = arith.constant 16 : index
      %get3A_632 = tpu.vector_load %arg7[%get3A_630, %get3A_631] {strides = array<i32>} : memref<800x32xf32, #tpu.memory_space<vmem>>, vector<1x16xf32>,
      %get3A_633 = vector.shape_cast %get3A_632 : vector<1x16xf32> to vector<16xf32>
      %add3A_634 = arith.addf %add3A_620, %get3A_633 : vector<16xf32>
      %add3A_635 = arith.constant 43 : i32
      %add3A_636 = arith.addi %mul3A_33, %add3A_635 : i32
      %get3A_637 = arith.index_cast %add3A_636 : i32 to index
      %get3A_638 = arith.constant 0 : index
      %get3A_639 = tpu.vector_load %arg7[%get3A_637, %get3A_638] {strides = array<i32>} : memref<800x32xf32, #tpu.memory_space<vmem>>, vector<1x16xf32>,
      %get3A_640 = vector.shape_cast %get3A_639 : vector<1x16xf32> to vector<16xf32>
      %add3A_641 = arith.addf %add3A_627, %get3A_640 : vector<16xf32>
      %add3A_642 = arith.constant 43 : i32
      %add3A_643 = arith.addi %mul3A_33, %add3A_642 : i32
      %get3A_644 = arith.index_cast %add3A_643 : i32 to index
      %get3A_645 = arith.constant 16 : index
      %get3A_646 = tpu.vector_load %arg7[%get3A_644, %get3A_645] {strides = array<i32>} : memref<800x32xf32, #tpu.memory_space<vmem>>, vector<1x16xf32>,
      %get3A_647 = vector.shape_cast %get3A_646 : vector<1x16xf32> to vector<16xf32>
      %add3A_648 = arith.addf %add3A_634, %get3A_647 : vector<16xf32>
      %add3A_649 = arith.constant 44 : i32
      %add3A_650 = arith.addi %mul3A_33, %add3A_649 : i32
      %get3A_651 = arith.index_cast %add3A_650 : i32 to index
      %get3A_652 = arith.constant 0 : index
      %get3A_653 = tpu.vector_load %arg7[%get3A_651, %get3A_652] {strides = array<i32>} : memref<800x32xf32, #tpu.memory_space<vmem>>, vector<1x16xf32>,
      %get3A_654 = vector.shape_cast %get3A_653 : vector<1x16xf32> to vector<16xf32>
      %add3A_655 = arith.addf %add3A_641, %get3A_654 : vector<16xf32>
      %add3A_656 = arith.constant 44 : i32
      %add3A_657 = arith.addi %mul3A_33, %add3A_656 : i32
      %get3A_658 = arith.index_cast %add3A_657 : i32 to index
      %get3A_659 = arith.constant 16 : index
      %get3A_660 = tpu.vector_load %arg7[%get3A_658, %get3A_659] {strides = array<i32>} : memref<800x32xf32, #tpu.memory_space<vmem>>, vector<1x16xf32>,
      %get3A_661 = vector.shape_cast %get3A_660 : vector<1x16xf32> to vector<16xf32>
      %add3A_662 = arith.addf %add3A_648, %get3A_661 : vector<16xf32>
      %add3A_663 = arith.constant 45 : i32
      %add3A_664 = arith.addi %mul3A_33, %add3A_663 : i32
      %get3A_665 = arith.index_cast %add3A_664 : i32 to index
      %get3A_666 = arith.constant 0 : index
      %get3A_667 = tpu.vector_load %arg7[%get3A_665, %get3A_666] {strides = array<i32>} : memref<800x32xf32, #tpu.memory_space<vmem>>, vector<1x16xf32>,
      %get3A_668 = vector.shape_cast %get3A_667 : vector<1x16xf32> to vector<16xf32>
      %add3A_669 = arith.addf %add3A_655, %get3A_668 : vector<16xf32>
      %add3A_670 = arith.constant 45 : i32
      %add3A_671 = arith.addi %mul3A_33, %add3A_670 : i32
      %get3A_672 = arith.index_cast %add3A_671 : i32 to index
      %get3A_673 = arith.constant 16 : index
      %get3A_674 = tpu.vector_load %arg7[%get3A_672, %get3A_673] {strides = array<i32>} : memref<800x32xf32, #tpu.memory_space<vmem>>, vector<1x16xf32>,
      %get3A_675 = vector.shape_cast %get3A_674 : vector<1x16xf32> to vector<16xf32>
      %add3A_676 = arith.addf %add3A_662, %get3A_675 : vector<16xf32>
      %add3A_677 = arith.constant 46 : i32
      %add3A_678 = arith.addi %mul3A_33, %add3A_677 : i32
      %get3A_679 = arith.index_cast %add3A_678 : i32 to index
      %get3A_680 = arith.constant 0 : index
      %get3A_681 = tpu.vector_load %arg7[%get3A_679, %get3A_680] {strides = array<i32>} : memref<800x32xf32, #tpu.memory_space<vmem>>, vector<1x16xf32>,
      %get3A_682 = vector.shape_cast %get3A_681 : vector<1x16xf32> to vector<16xf32>
      %add3A_683 = arith.addf %add3A_669, %get3A_682 : vector<16xf32>
      %add3A_684 = arith.constant 46 : i32
      %add3A_685 = arith.addi %mul3A_33, %add3A_684 : i32
      %get3A_686 = arith.index_cast %add3A_685 : i32 to index
      %get3A_687 = arith.constant 16 : index
      %get3A_688 = tpu.vector_load %arg7[%get3A_686, %get3A_687] {strides = array<i32>} : memref<800x32xf32, #tpu.memory_space<vmem>>, vector<1x16xf32>,
      %get3A_689 = vector.shape_cast %get3A_688 : vector<1x16xf32> to vector<16xf32>
      %add3A_690 = arith.addf %add3A_676, %get3A_689 : vector<16xf32>
      %add3A_691 = arith.constant 47 : i32
      %add3A_692 = arith.addi %mul3A_33, %add3A_691 : i32
      %get3A_693 = arith.index_cast %add3A_692 : i32 to index
      %get3A_694 = arith.constant 0 : index
      %get3A_695 = tpu.vector_load %arg7[%get3A_693, %get3A_694] {strides = array<i32>} : memref<800x32xf32, #tpu.memory_space<vmem>>, vector<1x16xf32>,
      %get3A_696 = vector.shape_cast %get3A_695 : vector<1x16xf32> to vector<16xf32>
      %add3A_697 = arith.addf %add3A_683, %get3A_696 : vector<16xf32>
      %add3A_698 = arith.constant 47 : i32
      %add3A_699 = arith.addi %mul3A_33, %add3A_698 : i32
      %get3A_700 = arith.index_cast %add3A_699 : i32 to index
      %get3A_701 = arith.constant 16 : index
      %get3A_702 = tpu.vector_load %arg7[%get3A_700, %get3A_701] {strides = array<i32>} : memref<800x32xf32, #tpu.memory_space<vmem>>, vector<1x16xf32>,
      %get3A_703 = vector.shape_cast %get3A_702 : vector<1x16xf32> to vector<16xf32>
      %add3A_704 = arith.addf %add3A_690, %get3A_703 : vector<16xf32>
      %add3A_705 = arith.constant 48 : i32
      %add3A_706 = arith.addi %mul3A_33, %add3A_705 : i32
      %get3A_707 = arith.index_cast %add3A_706 : i32 to index
      %get3A_708 = arith.constant 0 : index
      %get3A_709 = tpu.vector_load %arg7[%get3A_707, %get3A_708] {strides = array<i32>} : memref<800x32xf32, #tpu.memory_space<vmem>>, vector<1x16xf32>,
      %get3A_710 = vector.shape_cast %get3A_709 : vector<1x16xf32> to vector<16xf32>
      %add3A_711 = arith.addf %add3A_697, %get3A_710 : vector<16xf32>
      %add3A_712 = arith.constant 48 : i32
      %add3A_713 = arith.addi %mul3A_33, %add3A_712 : i32
      %get3A_714 = arith.index_cast %add3A_713 : i32 to index
      %get3A_715 = arith.constant 16 : index
      %get3A_716 = tpu.vector_load %arg7[%get3A_714, %get3A_715] {strides = array<i32>} : memref<800x32xf32, #tpu.memory_space<vmem>>, vector<1x16xf32>,
      %get3A_717 = vector.shape_cast %get3A_716 : vector<1x16xf32> to vector<16xf32>
      %add3A_718 = arith.addf %add3A_704, %get3A_717 : vector<16xf32>
      %add3A_719 = arith.constant 49 : i32
      %add3A_720 = arith.addi %mul3A_33, %add3A_719 : i32
      %get3A_721 = arith.index_cast %add3A_720 : i32 to index
      %get3A_722 = arith.constant 0 : index
      %get3A_723 = tpu.vector_load %arg7[%get3A_721, %get3A_722] {strides = array<i32>} : memref<800x32xf32, #tpu.memory_space<vmem>>, vector<1x16xf32>,
      %get3A_724 = vector.shape_cast %get3A_723 : vector<1x16xf32> to vector<16xf32>
      %add3A_725 = arith.addf %add3A_711, %get3A_724 : vector<16xf32>
      %add3A_726 = arith.constant 49 : i32
      %add3A_727 = arith.addi %mul3A_33, %add3A_726 : i32
      %get3A_728 = arith.index_cast %add3A_727 : i32 to index
      %get3A_729 = arith.constant 16 : index
      %get3A_730 = tpu.vector_load %arg7[%get3A_728, %get3A_729] {strides = array<i32>} : memref<800x32xf32, #tpu.memory_space<vmem>>, vector<1x16xf32>,
      %get3A_731 = vector.shape_cast %get3A_730 : vector<1x16xf32> to vector<16xf32>
      %add3A_732 = arith.addf %add3A_718, %get3A_731 : vector<16xf32>
      %add3A_733 = arith.constant 0 : i32
      %add3A_734 = arith.addi %add3A_733, %scan3A_28 : i32
      %swap3A = arith.index_cast %add3A_734 : i32 to index
      %swap3A_735 = arith.constant 0 : index
      %swap3A_736 = tpu.vector_load %arg9[%swap3A, %swap3A_735] {strides = array<i32>} : memref<32x32xf32, #tpu.memory_space<vmem>>, vector<1x16xf32>,
      %swap3A_737 = vector.shape_cast %swap3A_736 : vector<1x16xf32> to vector<16xf32>
      %swap3A_738 = vector.shape_cast %add3A_725 : vector<16xf32> to vector<1x16xf32>
      tpu.vector_store %arg9[%swap3A, %swap3A_735], %swap3A_738 {strides = array<i32>} : memref<32x32xf32, #tpu.memory_space<vmem>>, vector<1x16xf32>,
      %add3A_739 = arith.constant 0 : i32
      %add3A_740 = arith.addi %add3A_739, %scan3A_28 : i32
      %swap3A_741 = arith.index_cast %add3A_740 : i32 to index
      %swap3A_742 = arith.constant 16 : index
      %swap3A_743 = tpu.vector_load %arg9[%swap3A_741, %swap3A_742] {strides = array<i32>} : memref<32x32xf32, #tpu.memory_space<vmem>>, vector<1x16xf32>,
      %swap3A_744 = vector.shape_cast %swap3A_743 : vector<1x16xf32> to vector<16xf32>
      %swap3A_745 = vector.shape_cast %add3A_732 : vector<16xf32> to vector<1x16xf32>
      tpu.vector_store %arg9[%swap3A_741, %swap3A_742], %swap3A_745 {strides = array<i32>} : memref<32x32xf32, #tpu.memory_space<vmem>>, vector<1x16xf32>,
    }
    %scan3A_16 = arith.constant 16 : i32
    %dma_wait3A_17 = arith.constant 0 : i32
    %dma_wait3A_18 = arith.constant 0 : i32
    %dma_wait3A_19 = tpu.memref_slice %arg3[%dma_wait3A_17, %dma_wait3A_18] : memref<100000x32xf32, #tpu.memory_space<hbm>> -> memref<100000x32xf32, #tpu.memory_space<hbm>>
    tpu.wait_indirect_dma semaphore(%arg11 : memref<!tpu.dma_semaphore, #tpu.memory_space<semaphore_mem>>) src(%dma_wait3A_19 : memref<100000x32xf32, #tpu.memory_space<hbm>>) dst(%arg8 : memref<800x32xf32, #tpu.memory_space<vmem>>)
    %scan3A_20 = arith.constant 0 : i32
    %scan3A_21 = arith.constant 0 : i32
    %scan3A_22 = arith.constant 16 : i32
    %scan3A_23 = arith.addi %scan3A_21, %scan3A_22 : i32
    %scan3A_24 = arith.constant 1 : i32
    scf.for %scan3A_28 = %scan3A_21 to %scan3A_23 step %scan3A_24  : i32 {
      %broadcast_in_dim3A = arith.constant 0.000000e+00 : f32
      %broadcast_in_dim3A_29 = vector.broadcast %broadcast_in_dim3A : f32 to vector<16xf32>
      %broadcast_in_dim3A_30 = arith.constant 0.000000e+00 : f32
      %broadcast_in_dim3A_31 = vector.broadcast %broadcast_in_dim3A_30 : f32 to vector<16xf32>
      %mul3A_32 = arith.constant 50 : i32
      %mul3A_33 = arith.muli %scan3A_28, %mul3A_32 : i32
      %add3A_34 = arith.constant 0 : i32
      %add3A_35 = arith.addi %mul3A_33, %add3A_34 : i32
      %get3A = arith.index_cast %add3A_35 : i32 to index
      %get3A_36 = arith.constant 0 : index
      %get3A_37 = tpu.vector_load %arg8[%get3A, %get3A_36] {strides = array<i32>} : memref<800x32xf32, #tpu.memory_space<vmem>>, vector<1x16xf32>,
      %get3A_38 = vector.shape_cast %get3A_37 : vector<1x16xf32> to vector<16xf32>
      %add3A_39 = arith.addf %broadcast_in_dim3A_29, %get3A_38 : vector<16xf32>
      %add3A_40 = arith.constant 0 : i32
      %add3A_41 = arith.addi %mul3A_33, %add3A_40 : i32
      %get3A_42 = arith.index_cast %add3A_41 : i32 to index
      %get3A_43 = arith.constant 16 : index
      %get3A_44 = tpu.vector_load %arg8[%get3A_42, %get3A_43] {strides = array<i32>} : memref<800x32xf32, #tpu.memory_space<vmem>>, vector<1x16xf32>,
      %get3A_45 = vector.shape_cast %get3A_44 : vector<1x16xf32> to vector<16xf32>
      %add3A_46 = arith.addf %broadcast_in_dim3A_31, %get3A_45 : vector<16xf32>
      %add3A_47 = arith.constant 1 : i32
      %add3A_48 = arith.addi %mul3A_33, %add3A_47 : i32
      %get3A_49 = arith.index_cast %add3A_48 : i32 to index
      %get3A_50 = arith.constant 0 : index
      %get3A_51 = tpu.vector_load %arg8[%get3A_49, %get3A_50] {strides = array<i32>} : memref<800x32xf32, #tpu.memory_space<vmem>>, vector<1x16xf32>,
      %get3A_52 = vector.shape_cast %get3A_51 : vector<1x16xf32> to vector<16xf32>
      %add3A_53 = arith.addf %add3A_39, %get3A_52 : vector<16xf32>
      %add3A_54 = arith.constant 1 : i32
      %add3A_55 = arith.addi %mul3A_33, %add3A_54 : i32
      %get3A_56 = arith.index_cast %add3A_55 : i32 to index
      %get3A_57 = arith.constant 16 : index
      %get3A_58 = tpu.vector_load %arg8[%get3A_56, %get3A_57] {strides = array<i32>} : memref<800x32xf32, #tpu.memory_space<vmem>>, vector<1x16xf32>,
      %get3A_59 = vector.shape_cast %get3A_58 : vector<1x16xf32> to vector<16xf32>
      %add3A_60 = arith.addf %add3A_46, %get3A_59 : vector<16xf32>
      %add3A_61 = arith.constant 2 : i32
      %add3A_62 = arith.addi %mul3A_33, %add3A_61 : i32
      %get3A_63 = arith.index_cast %add3A_62 : i32 to index
      %get3A_64 = arith.constant 0 : index
      %get3A_65 = tpu.vector_load %arg8[%get3A_63, %get3A_64] {strides = array<i32>} : memref<800x32xf32, #tpu.memory_space<vmem>>, vector<1x16xf32>,
      %get3A_66 = vector.shape_cast %get3A_65 : vector<1x16xf32> to vector<16xf32>
      %add3A_67 = arith.addf %add3A_53, %get3A_66 : vector<16xf32>
      %add3A_68 = arith.constant 2 : i32
      %add3A_69 = arith.addi %mul3A_33, %add3A_68 : i32
      %get3A_70 = arith.index_cast %add3A_69 : i32 to index
      %get3A_71 = arith.constant 16 : index
      %get3A_72 = tpu.vector_load %arg8[%get3A_70, %get3A_71] {strides = array<i32>} : memref<800x32xf32, #tpu.memory_space<vmem>>, vector<1x16xf32>,
      %get3A_73 = vector.shape_cast %get3A_72 : vector<1x16xf32> to vector<16xf32>
      %add3A_74 = arith.addf %add3A_60, %get3A_73 : vector<16xf32>
      %add3A_75 = arith.constant 3 : i32
      %add3A_76 = arith.addi %mul3A_33, %add3A_75 : i32
      %get3A_77 = arith.index_cast %add3A_76 : i32 to index
      %get3A_78 = arith.constant 0 : index
      %get3A_79 = tpu.vector_load %arg8[%get3A_77, %get3A_78] {strides = array<i32>} : memref<800x32xf32, #tpu.memory_space<vmem>>, vector<1x16xf32>,
      %get3A_80 = vector.shape_cast %get3A_79 : vector<1x16xf32> to vector<16xf32>
      %add3A_81 = arith.addf %add3A_67, %get3A_80 : vector<16xf32>
      %add3A_82 = arith.constant 3 : i32
      %add3A_83 = arith.addi %mul3A_33, %add3A_82 : i32
      %get3A_84 = arith.index_cast %add3A_83 : i32 to index
      %get3A_85 = arith.constant 16 : index
      %get3A_86 = tpu.vector_load %arg8[%get3A_84, %get3A_85] {strides = array<i32>} : memref<800x32xf32, #tpu.memory_space<vmem>>, vector<1x16xf32>,
      %get3A_87 = vector.shape_cast %get3A_86 : vector<1x16xf32> to vector<16xf32>
      %add3A_88 = arith.addf %add3A_74, %get3A_87 : vector<16xf32>
      %add3A_89 = arith.constant 4 : i32
      %add3A_90 = arith.addi %mul3A_33, %add3A_89 : i32
      %get3A_91 = arith.index_cast %add3A_90 : i32 to index
      %get3A_92 = arith.constant 0 : index
      %get3A_93 = tpu.vector_load %arg8[%get3A_91, %get3A_92] {strides = array<i32>} : memref<800x32xf32, #tpu.memory_space<vmem>>, vector<1x16xf32>,
      %get3A_94 = vector.shape_cast %get3A_93 : vector<1x16xf32> to vector<16xf32>
      %add3A_95 = arith.addf %add3A_81, %get3A_94 : vector<16xf32>
      %add3A_96 = arith.constant 4 : i32
      %add3A_97 = arith.addi %mul3A_33, %add3A_96 : i32
      %get3A_98 = arith.index_cast %add3A_97 : i32 to index
      %get3A_99 = arith.constant 16 : index
      %get3A_100 = tpu.vector_load %arg8[%get3A_98, %get3A_99] {strides = array<i32>} : memref<800x32xf32, #tpu.memory_space<vmem>>, vector<1x16xf32>,
      %get3A_101 = vector.shape_cast %get3A_100 : vector<1x16xf32> to vector<16xf32>
      %add3A_102 = arith.addf %add3A_88, %get3A_101 : vector<16xf32>
      %add3A_103 = arith.constant 5 : i32
      %add3A_104 = arith.addi %mul3A_33, %add3A_103 : i32
      %get3A_105 = arith.index_cast %add3A_104 : i32 to index
      %get3A_106 = arith.constant 0 : index
      %get3A_107 = tpu.vector_load %arg8[%get3A_105, %get3A_106] {strides = array<i32>} : memref<800x32xf32, #tpu.memory_space<vmem>>, vector<1x16xf32>,
      %get3A_108 = vector.shape_cast %get3A_107 : vector<1x16xf32> to vector<16xf32>
      %add3A_109 = arith.addf %add3A_95, %get3A_108 : vector<16xf32>
      %add3A_110 = arith.constant 5 : i32
      %add3A_111 = arith.addi %mul3A_33, %add3A_110 : i32
      %get3A_112 = arith.index_cast %add3A_111 : i32 to index
      %get3A_113 = arith.constant 16 : index
      %get3A_114 = tpu.vector_load %arg8[%get3A_112, %get3A_113] {strides = array<i32>} : memref<800x32xf32, #tpu.memory_space<vmem>>, vector<1x16xf32>,
      %get3A_115 = vector.shape_cast %get3A_114 : vector<1x16xf32> to vector<16xf32>
      %add3A_116 = arith.addf %add3A_102, %get3A_115 : vector<16xf32>
      %add3A_117 = arith.constant 6 : i32
      %add3A_118 = arith.addi %mul3A_33, %add3A_117 : i32
      %get3A_119 = arith.index_cast %add3A_118 : i32 to index
      %get3A_120 = arith.constant 0 : index
      %get3A_121 = tpu.vector_load %arg8[%get3A_119, %get3A_120] {strides = array<i32>} : memref<800x32xf32, #tpu.memory_space<vmem>>, vector<1x16xf32>,
      %get3A_122 = vector.shape_cast %get3A_121 : vector<1x16xf32> to vector<16xf32>
      %add3A_123 = arith.addf %add3A_109, %get3A_122 : vector<16xf32>
      %add3A_124 = arith.constant 6 : i32
      %add3A_125 = arith.addi %mul3A_33, %add3A_124 : i32
      %get3A_126 = arith.index_cast %add3A_125 : i32 to index
      %get3A_127 = arith.constant 16 : index
      %get3A_128 = tpu.vector_load %arg8[%get3A_126, %get3A_127] {strides = array<i32>} : memref<800x32xf32, #tpu.memory_space<vmem>>, vector<1x16xf32>,
      %get3A_129 = vector.shape_cast %get3A_128 : vector<1x16xf32> to vector<16xf32>
      %add3A_130 = arith.addf %add3A_116, %get3A_129 : vector<16xf32>
      %add3A_131 = arith.constant 7 : i32
      %add3A_132 = arith.addi %mul3A_33, %add3A_131 : i32
      %get3A_133 = arith.index_cast %add3A_132 : i32 to index
      %get3A_134 = arith.constant 0 : index
      %get3A_135 = tpu.vector_load %arg8[%get3A_133, %get3A_134] {strides = array<i32>} : memref<800x32xf32, #tpu.memory_space<vmem>>, vector<1x16xf32>,
      %get3A_136 = vector.shape_cast %get3A_135 : vector<1x16xf32> to vector<16xf32>
      %add3A_137 = arith.addf %add3A_123, %get3A_136 : vector<16xf32>
      %add3A_138 = arith.constant 7 : i32
      %add3A_139 = arith.addi %mul3A_33, %add3A_138 : i32
      %get3A_140 = arith.index_cast %add3A_139 : i32 to index
      %get3A_141 = arith.constant 16 : index
      %get3A_142 = tpu.vector_load %arg8[%get3A_140, %get3A_141] {strides = array<i32>} : memref<800x32xf32, #tpu.memory_space<vmem>>, vector<1x16xf32>,
      %get3A_143 = vector.shape_cast %get3A_142 : vector<1x16xf32> to vector<16xf32>
      %add3A_144 = arith.addf %add3A_130, %get3A_143 : vector<16xf32>
      %add3A_145 = arith.constant 8 : i32
      %add3A_146 = arith.addi %mul3A_33, %add3A_145 : i32
      %get3A_147 = arith.index_cast %add3A_146 : i32 to index
      %get3A_148 = arith.constant 0 : index
      %get3A_149 = tpu.vector_load %arg8[%get3A_147, %get3A_148] {strides = array<i32>} : memref<800x32xf32, #tpu.memory_space<vmem>>, vector<1x16xf32>,
      %get3A_150 = vector.shape_cast %get3A_149 : vector<1x16xf32> to vector<16xf32>
      %add3A_151 = arith.addf %add3A_137, %get3A_150 : vector<16xf32>
      %add3A_152 = arith.constant 8 : i32
      %add3A_153 = arith.addi %mul3A_33, %add3A_152 : i32
      %get3A_154 = arith.index_cast %add3A_153 : i32 to index
      %get3A_155 = arith.constant 16 : index
      %get3A_156 = tpu.vector_load %arg8[%get3A_154, %get3A_155] {strides = array<i32>} : memref<800x32xf32, #tpu.memory_space<vmem>>, vector<1x16xf32>,
      %get3A_157 = vector.shape_cast %get3A_156 : vector<1x16xf32> to vector<16xf32>
      %add3A_158 = arith.addf %add3A_144, %get3A_157 : vector<16xf32>
      %add3A_159 = arith.constant 9 : i32
      %add3A_160 = arith.addi %mul3A_33, %add3A_159 : i32
      %get3A_161 = arith.index_cast %add3A_160 : i32 to index
      %get3A_162 = arith.constant 0 : index
      %get3A_163 = tpu.vector_load %arg8[%get3A_161, %get3A_162] {strides = array<i32>} : memref<800x32xf32, #tpu.memory_space<vmem>>, vector<1x16xf32>,
      %get3A_164 = vector.shape_cast %get3A_163 : vector<1x16xf32> to vector<16xf32>
      %add3A_165 = arith.addf %add3A_151, %get3A_164 : vector<16xf32>
      %add3A_166 = arith.constant 9 : i32
      %add3A_167 = arith.addi %mul3A_33, %add3A_166 : i32
      %get3A_168 = arith.index_cast %add3A_167 : i32 to index
      %get3A_169 = arith.constant 16 : index
      %get3A_170 = tpu.vector_load %arg8[%get3A_168, %get3A_169] {strides = array<i32>} : memref<800x32xf32, #tpu.memory_space<vmem>>, vector<1x16xf32>,
      %get3A_171 = vector.shape_cast %get3A_170 : vector<1x16xf32> to vector<16xf32>
      %add3A_172 = arith.addf %add3A_158, %get3A_171 : vector<16xf32>
      %add3A_173 = arith.constant 10 : i32
      %add3A_174 = arith.addi %mul3A_33, %add3A_173 : i32
      %get3A_175 = arith.index_cast %add3A_174 : i32 to index
      %get3A_176 = arith.constant 0 : index
      %get3A_177 = tpu.vector_load %arg8[%get3A_175, %get3A_176] {strides = array<i32>} : memref<800x32xf32, #tpu.memory_space<vmem>>, vector<1x16xf32>,
      %get3A_178 = vector.shape_cast %get3A_177 : vector<1x16xf32> to vector<16xf32>
      %add3A_179 = arith.addf %add3A_165, %get3A_178 : vector<16xf32>
      %add3A_180 = arith.constant 10 : i32
      %add3A_181 = arith.addi %mul3A_33, %add3A_180 : i32
      %get3A_182 = arith.index_cast %add3A_181 : i32 to index
      %get3A_183 = arith.constant 16 : index
      %get3A_184 = tpu.vector_load %arg8[%get3A_182, %get3A_183] {strides = array<i32>} : memref<800x32xf32, #tpu.memory_space<vmem>>, vector<1x16xf32>,
      %get3A_185 = vector.shape_cast %get3A_184 : vector<1x16xf32> to vector<16xf32>
      %add3A_186 = arith.addf %add3A_172, %get3A_185 : vector<16xf32>
      %add3A_187 = arith.constant 11 : i32
      %add3A_188 = arith.addi %mul3A_33, %add3A_187 : i32
      %get3A_189 = arith.index_cast %add3A_188 : i32 to index
      %get3A_190 = arith.constant 0 : index
      %get3A_191 = tpu.vector_load %arg8[%get3A_189, %get3A_190] {strides = array<i32>} : memref<800x32xf32, #tpu.memory_space<vmem>>, vector<1x16xf32>,
      %get3A_192 = vector.shape_cast %get3A_191 : vector<1x16xf32> to vector<16xf32>
      %add3A_193 = arith.addf %add3A_179, %get3A_192 : vector<16xf32>
      %add3A_194 = arith.constant 11 : i32
      %add3A_195 = arith.addi %mul3A_33, %add3A_194 : i32
      %get3A_196 = arith.index_cast %add3A_195 : i32 to index
      %get3A_197 = arith.constant 16 : index
      %get3A_198 = tpu.vector_load %arg8[%get3A_196, %get3A_197] {strides = array<i32>} : memref<800x32xf32, #tpu.memory_space<vmem>>, vector<1x16xf32>,
      %get3A_199 = vector.shape_cast %get3A_198 : vector<1x16xf32> to vector<16xf32>
      %add3A_200 = arith.addf %add3A_186, %get3A_199 : vector<16xf32>
      %add3A_201 = arith.constant 12 : i32
      %add3A_202 = arith.addi %mul3A_33, %add3A_201 : i32
      %get3A_203 = arith.index_cast %add3A_202 : i32 to index
      %get3A_204 = arith.constant 0 : index
      %get3A_205 = tpu.vector_load %arg8[%get3A_203, %get3A_204] {strides = array<i32>} : memref<800x32xf32, #tpu.memory_space<vmem>>, vector<1x16xf32>,
      %get3A_206 = vector.shape_cast %get3A_205 : vector<1x16xf32> to vector<16xf32>
      %add3A_207 = arith.addf %add3A_193, %get3A_206 : vector<16xf32>
      %add3A_208 = arith.constant 12 : i32
      %add3A_209 = arith.addi %mul3A_33, %add3A_208 : i32
      %get3A_210 = arith.index_cast %add3A_209 : i32 to index
      %get3A_211 = arith.constant 16 : index
      %get3A_212 = tpu.vector_load %arg8[%get3A_210, %get3A_211] {strides = array<i32>} : memref<800x32xf32, #tpu.memory_space<vmem>>, vector<1x16xf32>,
      %get3A_213 = vector.shape_cast %get3A_212 : vector<1x16xf32> to vector<16xf32>
      %add3A_214 = arith.addf %add3A_200, %get3A_213 : vector<16xf32>
      %add3A_215 = arith.constant 13 : i32
      %add3A_216 = arith.addi %mul3A_33, %add3A_215 : i32
      %get3A_217 = arith.index_cast %add3A_216 : i32 to index
      %get3A_218 = arith.constant 0 : index
      %get3A_219 = tpu.vector_load %arg8[%get3A_217, %get3A_218] {strides = array<i32>} : memref<800x32xf32, #tpu.memory_space<vmem>>, vector<1x16xf32>,
      %get3A_220 = vector.shape_cast %get3A_219 : vector<1x16xf32> to vector<16xf32>
      %add3A_221 = arith.addf %add3A_207, %get3A_220 : vector<16xf32>
      %add3A_222 = arith.constant 13 : i32
      %add3A_223 = arith.addi %mul3A_33, %add3A_222 : i32
      %get3A_224 = arith.index_cast %add3A_223 : i32 to index
      %get3A_225 = arith.constant 16 : index
      %get3A_226 = tpu.vector_load %arg8[%get3A_224, %get3A_225] {strides = array<i32>} : memref<800x32xf32, #tpu.memory_space<vmem>>, vector<1x16xf32>,
      %get3A_227 = vector.shape_cast %get3A_226 : vector<1x16xf32> to vector<16xf32>
      %add3A_228 = arith.addf %add3A_214, %get3A_227 : vector<16xf32>
      %add3A_229 = arith.constant 14 : i32
      %add3A_230 = arith.addi %mul3A_33, %add3A_229 : i32
      %get3A_231 = arith.index_cast %add3A_230 : i32 to index
      %get3A_232 = arith.constant 0 : index
      %get3A_233 = tpu.vector_load %arg8[%get3A_231, %get3A_232] {strides = array<i32>} : memref<800x32xf32, #tpu.memory_space<vmem>>, vector<1x16xf32>,
      %get3A_234 = vector.shape_cast %get3A_233 : vector<1x16xf32> to vector<16xf32>
      %add3A_235 = arith.addf %add3A_221, %get3A_234 : vector<16xf32>
      %add3A_236 = arith.constant 14 : i32
      %add3A_237 = arith.addi %mul3A_33, %add3A_236 : i32
      %get3A_238 = arith.index_cast %add3A_237 : i32 to index
      %get3A_239 = arith.constant 16 : index
      %get3A_240 = tpu.vector_load %arg8[%get3A_238, %get3A_239] {strides = array<i32>} : memref<800x32xf32, #tpu.memory_space<vmem>>, vector<1x16xf32>,
      %get3A_241 = vector.shape_cast %get3A_240 : vector<1x16xf32> to vector<16xf32>
      %add3A_242 = arith.addf %add3A_228, %get3A_241 : vector<16xf32>
      %add3A_243 = arith.constant 15 : i32
      %add3A_244 = arith.addi %mul3A_33, %add3A_243 : i32
      %get3A_245 = arith.index_cast %add3A_244 : i32 to index
      %get3A_246 = arith.constant 0 : index
      %get3A_247 = tpu.vector_load %arg8[%get3A_245, %get3A_246] {strides = array<i32>} : memref<800x32xf32, #tpu.memory_space<vmem>>, vector<1x16xf32>,
      %get3A_248 = vector.shape_cast %get3A_247 : vector<1x16xf32> to vector<16xf32>
      %add3A_249 = arith.addf %add3A_235, %get3A_248 : vector<16xf32>
      %add3A_250 = arith.constant 15 : i32
      %add3A_251 = arith.addi %mul3A_33, %add3A_250 : i32
      %get3A_252 = arith.index_cast %add3A_251 : i32 to index
      %get3A_253 = arith.constant 16 : index
      %get3A_254 = tpu.vector_load %arg8[%get3A_252, %get3A_253] {strides = array<i32>} : memref<800x32xf32, #tpu.memory_space<vmem>>, vector<1x16xf32>,
      %get3A_255 = vector.shape_cast %get3A_254 : vector<1x16xf32> to vector<16xf32>
      %add3A_256 = arith.addf %add3A_242, %get3A_255 : vector<16xf32>
      %add3A_257 = arith.constant 16 : i32
      %add3A_258 = arith.addi %mul3A_33, %add3A_257 : i32
      %get3A_259 = arith.index_cast %add3A_258 : i32 to index
      %get3A_260 = arith.constant 0 : index
      %get3A_261 = tpu.vector_load %arg8[%get3A_259, %get3A_260] {strides = array<i32>} : memref<800x32xf32, #tpu.memory_space<vmem>>, vector<1x16xf32>,
      %get3A_262 = vector.shape_cast %get3A_261 : vector<1x16xf32> to vector<16xf32>
      %add3A_263 = arith.addf %add3A_249, %get3A_262 : vector<16xf32>
      %add3A_264 = arith.constant 16 : i32
      %add3A_265 = arith.addi %mul3A_33, %add3A_264 : i32
      %get3A_266 = arith.index_cast %add3A_265 : i32 to index
      %get3A_267 = arith.constant 16 : index
      %get3A_268 = tpu.vector_load %arg8[%get3A_266, %get3A_267] {strides = array<i32>} : memref<800x32xf32, #tpu.memory_space<vmem>>, vector<1x16xf32>,
      %get3A_269 = vector.shape_cast %get3A_268 : vector<1x16xf32> to vector<16xf32>
      %add3A_270 = arith.addf %add3A_256, %get3A_269 : vector<16xf32>
      %add3A_271 = arith.constant 17 : i32
      %add3A_272 = arith.addi %mul3A_33, %add3A_271 : i32
      %get3A_273 = arith.index_cast %add3A_272 : i32 to index
      %get3A_274 = arith.constant 0 : index
      %get3A_275 = tpu.vector_load %arg8[%get3A_273, %get3A_274] {strides = array<i32>} : memref<800x32xf32, #tpu.memory_space<vmem>>, vector<1x16xf32>,
      %get3A_276 = vector.shape_cast %get3A_275 : vector<1x16xf32> to vector<16xf32>
      %add3A_277 = arith.addf %add3A_263, %get3A_276 : vector<16xf32>
      %add3A_278 = arith.constant 17 : i32
      %add3A_279 = arith.addi %mul3A_33, %add3A_278 : i32
      %get3A_280 = arith.index_cast %add3A_279 : i32 to index
      %get3A_281 = arith.constant 16 : index
      %get3A_282 = tpu.vector_load %arg8[%get3A_280, %get3A_281] {strides = array<i32>} : memref<800x32xf32, #tpu.memory_space<vmem>>, vector<1x16xf32>,
      %get3A_283 = vector.shape_cast %get3A_282 : vector<1x16xf32> to vector<16xf32>
      %add3A_284 = arith.addf %add3A_270, %get3A_283 : vector<16xf32>
      %add3A_285 = arith.constant 18 : i32
      %add3A_286 = arith.addi %mul3A_33, %add3A_285 : i32
      %get3A_287 = arith.index_cast %add3A_286 : i32 to index
      %get3A_288 = arith.constant 0 : index
      %get3A_289 = tpu.vector_load %arg8[%get3A_287, %get3A_288] {strides = array<i32>} : memref<800x32xf32, #tpu.memory_space<vmem>>, vector<1x16xf32>,
      %get3A_290 = vector.shape_cast %get3A_289 : vector<1x16xf32> to vector<16xf32>
      %add3A_291 = arith.addf %add3A_277, %get3A_290 : vector<16xf32>
      %add3A_292 = arith.constant 18 : i32
      %add3A_293 = arith.addi %mul3A_33, %add3A_292 : i32
      %get3A_294 = arith.index_cast %add3A_293 : i32 to index
      %get3A_295 = arith.constant 16 : index
      %get3A_296 = tpu.vector_load %arg8[%get3A_294, %get3A_295] {strides = array<i32>} : memref<800x32xf32, #tpu.memory_space<vmem>>, vector<1x16xf32>,
      %get3A_297 = vector.shape_cast %get3A_296 : vector<1x16xf32> to vector<16xf32>
      %add3A_298 = arith.addf %add3A_284, %get3A_297 : vector<16xf32>
      %add3A_299 = arith.constant 19 : i32
      %add3A_300 = arith.addi %mul3A_33, %add3A_299 : i32
      %get3A_301 = arith.index_cast %add3A_300 : i32 to index
      %get3A_302 = arith.constant 0 : index
      %get3A_303 = tpu.vector_load %arg8[%get3A_301, %get3A_302] {strides = array<i32>} : memref<800x32xf32, #tpu.memory_space<vmem>>, vector<1x16xf32>,
      %get3A_304 = vector.shape_cast %get3A_303 : vector<1x16xf32> to vector<16xf32>
      %add3A_305 = arith.addf %add3A_291, %get3A_304 : vector<16xf32>
      %add3A_306 = arith.constant 19 : i32
      %add3A_307 = arith.addi %mul3A_33, %add3A_306 : i32
      %get3A_308 = arith.index_cast %add3A_307 : i32 to index
      %get3A_309 = arith.constant 16 : index
      %get3A_310 = tpu.vector_load %arg8[%get3A_308, %get3A_309] {strides = array<i32>} : memref<800x32xf32, #tpu.memory_space<vmem>>, vector<1x16xf32>,
      %get3A_311 = vector.shape_cast %get3A_310 : vector<1x16xf32> to vector<16xf32>
      %add3A_312 = arith.addf %add3A_298, %get3A_311 : vector<16xf32>
      %add3A_313 = arith.constant 20 : i32
      %add3A_314 = arith.addi %mul3A_33, %add3A_313 : i32
      %get3A_315 = arith.index_cast %add3A_314 : i32 to index
      %get3A_316 = arith.constant 0 : index
      %get3A_317 = tpu.vector_load %arg8[%get3A_315, %get3A_316] {strides = array<i32>} : memref<800x32xf32, #tpu.memory_space<vmem>>, vector<1x16xf32>,
      %get3A_318 = vector.shape_cast %get3A_317 : vector<1x16xf32> to vector<16xf32>
      %add3A_319 = arith.addf %add3A_305, %get3A_318 : vector<16xf32>
      %add3A_320 = arith.constant 20 : i32
      %add3A_321 = arith.addi %mul3A_33, %add3A_320 : i32
      %get3A_322 = arith.index_cast %add3A_321 : i32 to index
      %get3A_323 = arith.constant 16 : index
      %get3A_324 = tpu.vector_load %arg8[%get3A_322, %get3A_323] {strides = array<i32>} : memref<800x32xf32, #tpu.memory_space<vmem>>, vector<1x16xf32>,
      %get3A_325 = vector.shape_cast %get3A_324 : vector<1x16xf32> to vector<16xf32>
      %add3A_326 = arith.addf %add3A_312, %get3A_325 : vector<16xf32>
      %add3A_327 = arith.constant 21 : i32
      %add3A_328 = arith.addi %mul3A_33, %add3A_327 : i32
      %get3A_329 = arith.index_cast %add3A_328 : i32 to index
      %get3A_330 = arith.constant 0 : index
      %get3A_331 = tpu.vector_load %arg8[%get3A_329, %get3A_330] {strides = array<i32>} : memref<800x32xf32, #tpu.memory_space<vmem>>, vector<1x16xf32>,
      %get3A_332 = vector.shape_cast %get3A_331 : vector<1x16xf32> to vector<16xf32>
      %add3A_333 = arith.addf %add3A_319, %get3A_332 : vector<16xf32>
      %add3A_334 = arith.constant 21 : i32
      %add3A_335 = arith.addi %mul3A_33, %add3A_334 : i32
      %get3A_336 = arith.index_cast %add3A_335 : i32 to index
      %get3A_337 = arith.constant 16 : index
      %get3A_338 = tpu.vector_load %arg8[%get3A_336, %get3A_337] {strides = array<i32>} : memref<800x32xf32, #tpu.memory_space<vmem>>, vector<1x16xf32>,
      %get3A_339 = vector.shape_cast %get3A_338 : vector<1x16xf32> to vector<16xf32>
      %add3A_340 = arith.addf %add3A_326, %get3A_339 : vector<16xf32>
      %add3A_341 = arith.constant 22 : i32
      %add3A_342 = arith.addi %mul3A_33, %add3A_341 : i32
      %get3A_343 = arith.index_cast %add3A_342 : i32 to index
      %get3A_344 = arith.constant 0 : index
      %get3A_345 = tpu.vector_load %arg8[%get3A_343, %get3A_344] {strides = array<i32>} : memref<800x32xf32, #tpu.memory_space<vmem>>, vector<1x16xf32>,
      %get3A_346 = vector.shape_cast %get3A_345 : vector<1x16xf32> to vector<16xf32>
      %add3A_347 = arith.addf %add3A_333, %get3A_346 : vector<16xf32>
      %add3A_348 = arith.constant 22 : i32
      %add3A_349 = arith.addi %mul3A_33, %add3A_348 : i32
      %get3A_350 = arith.index_cast %add3A_349 : i32 to index
      %get3A_351 = arith.constant 16 : index
      %get3A_352 = tpu.vector_load %arg8[%get3A_350, %get3A_351] {strides = array<i32>} : memref<800x32xf32, #tpu.memory_space<vmem>>, vector<1x16xf32>,
      %get3A_353 = vector.shape_cast %get3A_352 : vector<1x16xf32> to vector<16xf32>
      %add3A_354 = arith.addf %add3A_340, %get3A_353 : vector<16xf32>
      %add3A_355 = arith.constant 23 : i32
      %add3A_356 = arith.addi %mul3A_33, %add3A_355 : i32
      %get3A_357 = arith.index_cast %add3A_356 : i32 to index
      %get3A_358 = arith.constant 0 : index
      %get3A_359 = tpu.vector_load %arg8[%get3A_357, %get3A_358] {strides = array<i32>} : memref<800x32xf32, #tpu.memory_space<vmem>>, vector<1x16xf32>,
      %get3A_360 = vector.shape_cast %get3A_359 : vector<1x16xf32> to vector<16xf32>
      %add3A_361 = arith.addf %add3A_347, %get3A_360 : vector<16xf32>
      %add3A_362 = arith.constant 23 : i32
      %add3A_363 = arith.addi %mul3A_33, %add3A_362 : i32
      %get3A_364 = arith.index_cast %add3A_363 : i32 to index
      %get3A_365 = arith.constant 16 : index
      %get3A_366 = tpu.vector_load %arg8[%get3A_364, %get3A_365] {strides = array<i32>} : memref<800x32xf32, #tpu.memory_space<vmem>>, vector<1x16xf32>,
      %get3A_367 = vector.shape_cast %get3A_366 : vector<1x16xf32> to vector<16xf32>
      %add3A_368 = arith.addf %add3A_354, %get3A_367 : vector<16xf32>
      %add3A_369 = arith.constant 24 : i32
      %add3A_370 = arith.addi %mul3A_33, %add3A_369 : i32
      %get3A_371 = arith.index_cast %add3A_370 : i32 to index
      %get3A_372 = arith.constant 0 : index
      %get3A_373 = tpu.vector_load %arg8[%get3A_371, %get3A_372] {strides = array<i32>} : memref<800x32xf32, #tpu.memory_space<vmem>>, vector<1x16xf32>,
      %get3A_374 = vector.shape_cast %get3A_373 : vector<1x16xf32> to vector<16xf32>
      %add3A_375 = arith.addf %add3A_361, %get3A_374 : vector<16xf32>
      %add3A_376 = arith.constant 24 : i32
      %add3A_377 = arith.addi %mul3A_33, %add3A_376 : i32
      %get3A_378 = arith.index_cast %add3A_377 : i32 to index
      %get3A_379 = arith.constant 16 : index
      %get3A_380 = tpu.vector_load %arg8[%get3A_378, %get3A_379] {strides = array<i32>} : memref<800x32xf32, #tpu.memory_space<vmem>>, vector<1x16xf32>,
      %get3A_381 = vector.shape_cast %get3A_380 : vector<1x16xf32> to vector<16xf32>
      %add3A_382 = arith.addf %add3A_368, %get3A_381 : vector<16xf32>
      %add3A_383 = arith.constant 25 : i32
      %add3A_384 = arith.addi %mul3A_33, %add3A_383 : i32
      %get3A_385 = arith.index_cast %add3A_384 : i32 to index
      %get3A_386 = arith.constant 0 : index
      %get3A_387 = tpu.vector_load %arg8[%get3A_385, %get3A_386] {strides = array<i32>} : memref<800x32xf32, #tpu.memory_space<vmem>>, vector<1x16xf32>,
      %get3A_388 = vector.shape_cast %get3A_387 : vector<1x16xf32> to vector<16xf32>
      %add3A_389 = arith.addf %add3A_375, %get3A_388 : vector<16xf32>
      %add3A_390 = arith.constant 25 : i32
      %add3A_391 = arith.addi %mul3A_33, %add3A_390 : i32
      %get3A_392 = arith.index_cast %add3A_391 : i32 to index
      %get3A_393 = arith.constant 16 : index
      %get3A_394 = tpu.vector_load %arg8[%get3A_392, %get3A_393] {strides = array<i32>} : memref<800x32xf32, #tpu.memory_space<vmem>>, vector<1x16xf32>,
      %get3A_395 = vector.shape_cast %get3A_394 : vector<1x16xf32> to vector<16xf32>
      %add3A_396 = arith.addf %add3A_382, %get3A_395 : vector<16xf32>
      %add3A_397 = arith.constant 26 : i32
      %add3A_398 = arith.addi %mul3A_33, %add3A_397 : i32
      %get3A_399 = arith.index_cast %add3A_398 : i32 to index
      %get3A_400 = arith.constant 0 : index
      %get3A_401 = tpu.vector_load %arg8[%get3A_399, %get3A_400] {strides = array<i32>} : memref<800x32xf32, #tpu.memory_space<vmem>>, vector<1x16xf32>,
      %get3A_402 = vector.shape_cast %get3A_401 : vector<1x16xf32> to vector<16xf32>
      %add3A_403 = arith.addf %add3A_389, %get3A_402 : vector<16xf32>
      %add3A_404 = arith.constant 26 : i32
      %add3A_405 = arith.addi %mul3A_33, %add3A_404 : i32
      %get3A_406 = arith.index_cast %add3A_405 : i32 to index
      %get3A_407 = arith.constant 16 : index
      %get3A_408 = tpu.vector_load %arg8[%get3A_406, %get3A_407] {strides = array<i32>} : memref<800x32xf32, #tpu.memory_space<vmem>>, vector<1x16xf32>,
      %get3A_409 = vector.shape_cast %get3A_408 : vector<1x16xf32> to vector<16xf32>
      %add3A_410 = arith.addf %add3A_396, %get3A_409 : vector<16xf32>
      %add3A_411 = arith.constant 27 : i32
      %add3A_412 = arith.addi %mul3A_33, %add3A_411 : i32
      %get3A_413 = arith.index_cast %add3A_412 : i32 to index
      %get3A_414 = arith.constant 0 : index
      %get3A_415 = tpu.vector_load %arg8[%get3A_413, %get3A_414] {strides = array<i32>} : memref<800x32xf32, #tpu.memory_space<vmem>>, vector<1x16xf32>,
      %get3A_416 = vector.shape_cast %get3A_415 : vector<1x16xf32> to vector<16xf32>
      %add3A_417 = arith.addf %add3A_403, %get3A_416 : vector<16xf32>
      %add3A_418 = arith.constant 27 : i32
      %add3A_419 = arith.addi %mul3A_33, %add3A_418 : i32
      %get3A_420 = arith.index_cast %add3A_419 : i32 to index
      %get3A_421 = arith.constant 16 : index
      %get3A_422 = tpu.vector_load %arg8[%get3A_420, %get3A_421] {strides = array<i32>} : memref<800x32xf32, #tpu.memory_space<vmem>>, vector<1x16xf32>,
      %get3A_423 = vector.shape_cast %get3A_422 : vector<1x16xf32> to vector<16xf32>
      %add3A_424 = arith.addf %add3A_410, %get3A_423 : vector<16xf32>
      %add3A_425 = arith.constant 28 : i32
      %add3A_426 = arith.addi %mul3A_33, %add3A_425 : i32
      %get3A_427 = arith.index_cast %add3A_426 : i32 to index
      %get3A_428 = arith.constant 0 : index
      %get3A_429 = tpu.vector_load %arg8[%get3A_427, %get3A_428] {strides = array<i32>} : memref<800x32xf32, #tpu.memory_space<vmem>>, vector<1x16xf32>,
      %get3A_430 = vector.shape_cast %get3A_429 : vector<1x16xf32> to vector<16xf32>
      %add3A_431 = arith.addf %add3A_417, %get3A_430 : vector<16xf32>
      %add3A_432 = arith.constant 28 : i32
      %add3A_433 = arith.addi %mul3A_33, %add3A_432 : i32
      %get3A_434 = arith.index_cast %add3A_433 : i32 to index
      %get3A_435 = arith.constant 16 : index
      %get3A_436 = tpu.vector_load %arg8[%get3A_434, %get3A_435] {strides = array<i32>} : memref<800x32xf32, #tpu.memory_space<vmem>>, vector<1x16xf32>,
      %get3A_437 = vector.shape_cast %get3A_436 : vector<1x16xf32> to vector<16xf32>
      %add3A_438 = arith.addf %add3A_424, %get3A_437 : vector<16xf32>
      %add3A_439 = arith.constant 29 : i32
      %add3A_440 = arith.addi %mul3A_33, %add3A_439 : i32
      %get3A_441 = arith.index_cast %add3A_440 : i32 to index
      %get3A_442 = arith.constant 0 : index
      %get3A_443 = tpu.vector_load %arg8[%get3A_441, %get3A_442] {strides = array<i32>} : memref<800x32xf32, #tpu.memory_space<vmem>>, vector<1x16xf32>,
      %get3A_444 = vector.shape_cast %get3A_443 : vector<1x16xf32> to vector<16xf32>
      %add3A_445 = arith.addf %add3A_431, %get3A_444 : vector<16xf32>
      %add3A_446 = arith.constant 29 : i32
      %add3A_447 = arith.addi %mul3A_33, %add3A_446 : i32
      %get3A_448 = arith.index_cast %add3A_447 : i32 to index
      %get3A_449 = arith.constant 16 : index
      %get3A_450 = tpu.vector_load %arg8[%get3A_448, %get3A_449] {strides = array<i32>} : memref<800x32xf32, #tpu.memory_space<vmem>>, vector<1x16xf32>,
      %get3A_451 = vector.shape_cast %get3A_450 : vector<1x16xf32> to vector<16xf32>
      %add3A_452 = arith.addf %add3A_438, %get3A_451 : vector<16xf32>
      %add3A_453 = arith.constant 30 : i32
      %add3A_454 = arith.addi %mul3A_33, %add3A_453 : i32
      %get3A_455 = arith.index_cast %add3A_454 : i32 to index
      %get3A_456 = arith.constant 0 : index
      %get3A_457 = tpu.vector_load %arg8[%get3A_455, %get3A_456] {strides = array<i32>} : memref<800x32xf32, #tpu.memory_space<vmem>>, vector<1x16xf32>,
      %get3A_458 = vector.shape_cast %get3A_457 : vector<1x16xf32> to vector<16xf32>
      %add3A_459 = arith.addf %add3A_445, %get3A_458 : vector<16xf32>
      %add3A_460 = arith.constant 30 : i32
      %add3A_461 = arith.addi %mul3A_33, %add3A_460 : i32
      %get3A_462 = arith.index_cast %add3A_461 : i32 to index
      %get3A_463 = arith.constant 16 : index
      %get3A_464 = tpu.vector_load %arg8[%get3A_462, %get3A_463] {strides = array<i32>} : memref<800x32xf32, #tpu.memory_space<vmem>>, vector<1x16xf32>,
      %get3A_465 = vector.shape_cast %get3A_464 : vector<1x16xf32> to vector<16xf32>
      %add3A_466 = arith.addf %add3A_452, %get3A_465 : vector<16xf32>
      %add3A_467 = arith.constant 31 : i32
      %add3A_468 = arith.addi %mul3A_33, %add3A_467 : i32
      %get3A_469 = arith.index_cast %add3A_468 : i32 to index
      %get3A_470 = arith.constant 0 : index
      %get3A_471 = tpu.vector_load %arg8[%get3A_469, %get3A_470] {strides = array<i32>} : memref<800x32xf32, #tpu.memory_space<vmem>>, vector<1x16xf32>,
      %get3A_472 = vector.shape_cast %get3A_471 : vector<1x16xf32> to vector<16xf32>
      %add3A_473 = arith.addf %add3A_459, %get3A_472 : vector<16xf32>
      %add3A_474 = arith.constant 31 : i32
      %add3A_475 = arith.addi %mul3A_33, %add3A_474 : i32
      %get3A_476 = arith.index_cast %add3A_475 : i32 to index
      %get3A_477 = arith.constant 16 : index
      %get3A_478 = tpu.vector_load %arg8[%get3A_476, %get3A_477] {strides = array<i32>} : memref<800x32xf32, #tpu.memory_space<vmem>>, vector<1x16xf32>,
      %get3A_479 = vector.shape_cast %get3A_478 : vector<1x16xf32> to vector<16xf32>
      %add3A_480 = arith.addf %add3A_466, %get3A_479 : vector<16xf32>
      %add3A_481 = arith.constant 32 : i32
      %add3A_482 = arith.addi %mul3A_33, %add3A_481 : i32
      %get3A_483 = arith.index_cast %add3A_482 : i32 to index
      %get3A_484 = arith.constant 0 : index
      %get3A_485 = tpu.vector_load %arg8[%get3A_483, %get3A_484] {strides = array<i32>} : memref<800x32xf32, #tpu.memory_space<vmem>>, vector<1x16xf32>,
      %get3A_486 = vector.shape_cast %get3A_485 : vector<1x16xf32> to vector<16xf32>
      %add3A_487 = arith.addf %add3A_473, %get3A_486 : vector<16xf32>
      %add3A_488 = arith.constant 32 : i32
      %add3A_489 = arith.addi %mul3A_33, %add3A_488 : i32
      %get3A_490 = arith.index_cast %add3A_489 : i32 to index
      %get3A_491 = arith.constant 16 : index
      %get3A_492 = tpu.vector_load %arg8[%get3A_490, %get3A_491] {strides = array<i32>} : memref<800x32xf32, #tpu.memory_space<vmem>>, vector<1x16xf32>,
      %get3A_493 = vector.shape_cast %get3A_492 : vector<1x16xf32> to vector<16xf32>
      %add3A_494 = arith.addf %add3A_480, %get3A_493 : vector<16xf32>
      %add3A_495 = arith.constant 33 : i32
      %add3A_496 = arith.addi %mul3A_33, %add3A_495 : i32
      %get3A_497 = arith.index_cast %add3A_496 : i32 to index
      %get3A_498 = arith.constant 0 : index
      %get3A_499 = tpu.vector_load %arg8[%get3A_497, %get3A_498] {strides = array<i32>} : memref<800x32xf32, #tpu.memory_space<vmem>>, vector<1x16xf32>,
      %get3A_500 = vector.shape_cast %get3A_499 : vector<1x16xf32> to vector<16xf32>
      %add3A_501 = arith.addf %add3A_487, %get3A_500 : vector<16xf32>
      %add3A_502 = arith.constant 33 : i32
      %add3A_503 = arith.addi %mul3A_33, %add3A_502 : i32
      %get3A_504 = arith.index_cast %add3A_503 : i32 to index
      %get3A_505 = arith.constant 16 : index
      %get3A_506 = tpu.vector_load %arg8[%get3A_504, %get3A_505] {strides = array<i32>} : memref<800x32xf32, #tpu.memory_space<vmem>>, vector<1x16xf32>,
      %get3A_507 = vector.shape_cast %get3A_506 : vector<1x16xf32> to vector<16xf32>
      %add3A_508 = arith.addf %add3A_494, %get3A_507 : vector<16xf32>
      %add3A_509 = arith.constant 34 : i32
      %add3A_510 = arith.addi %mul3A_33, %add3A_509 : i32
      %get3A_511 = arith.index_cast %add3A_510 : i32 to index
      %get3A_512 = arith.constant 0 : index
      %get3A_513 = tpu.vector_load %arg8[%get3A_511, %get3A_512] {strides = array<i32>} : memref<800x32xf32, #tpu.memory_space<vmem>>, vector<1x16xf32>,
      %get3A_514 = vector.shape_cast %get3A_513 : vector<1x16xf32> to vector<16xf32>
      %add3A_515 = arith.addf %add3A_501, %get3A_514 : vector<16xf32>
      %add3A_516 = arith.constant 34 : i32
      %add3A_517 = arith.addi %mul3A_33, %add3A_516 : i32
      %get3A_518 = arith.index_cast %add3A_517 : i32 to index
      %get3A_519 = arith.constant 16 : index
      %get3A_520 = tpu.vector_load %arg8[%get3A_518, %get3A_519] {strides = array<i32>} : memref<800x32xf32, #tpu.memory_space<vmem>>, vector<1x16xf32>,
      %get3A_521 = vector.shape_cast %get3A_520 : vector<1x16xf32> to vector<16xf32>
      %add3A_522 = arith.addf %add3A_508, %get3A_521 : vector<16xf32>
      %add3A_523 = arith.constant 35 : i32
      %add3A_524 = arith.addi %mul3A_33, %add3A_523 : i32
      %get3A_525 = arith.index_cast %add3A_524 : i32 to index
      %get3A_526 = arith.constant 0 : index
      %get3A_527 = tpu.vector_load %arg8[%get3A_525, %get3A_526] {strides = array<i32>} : memref<800x32xf32, #tpu.memory_space<vmem>>, vector<1x16xf32>,
      %get3A_528 = vector.shape_cast %get3A_527 : vector<1x16xf32> to vector<16xf32>
      %add3A_529 = arith.addf %add3A_515, %get3A_528 : vector<16xf32>
      %add3A_530 = arith.constant 35 : i32
      %add3A_531 = arith.addi %mul3A_33, %add3A_530 : i32
      %get3A_532 = arith.index_cast %add3A_531 : i32 to index
      %get3A_533 = arith.constant 16 : index
      %get3A_534 = tpu.vector_load %arg8[%get3A_532, %get3A_533] {strides = array<i32>} : memref<800x32xf32, #tpu.memory_space<vmem>>, vector<1x16xf32>,
      %get3A_535 = vector.shape_cast %get3A_534 : vector<1x16xf32> to vector<16xf32>
      %add3A_536 = arith.addf %add3A_522, %get3A_535 : vector<16xf32>
      %add3A_537 = arith.constant 36 : i32
      %add3A_538 = arith.addi %mul3A_33, %add3A_537 : i32
      %get3A_539 = arith.index_cast %add3A_538 : i32 to index
      %get3A_540 = arith.constant 0 : index
      %get3A_541 = tpu.vector_load %arg8[%get3A_539, %get3A_540] {strides = array<i32>} : memref<800x32xf32, #tpu.memory_space<vmem>>, vector<1x16xf32>,
      %get3A_542 = vector.shape_cast %get3A_541 : vector<1x16xf32> to vector<16xf32>
      %add3A_543 = arith.addf %add3A_529, %get3A_542 : vector<16xf32>
      %add3A_544 = arith.constant 36 : i32
      %add3A_545 = arith.addi %mul3A_33, %add3A_544 : i32
      %get3A_546 = arith.index_cast %add3A_545 : i32 to index
      %get3A_547 = arith.constant 16 : index
      %get3A_548 = tpu.vector_load %arg8[%get3A_546, %get3A_547] {strides = array<i32>} : memref<800x32xf32, #tpu.memory_space<vmem>>, vector<1x16xf32>,
      %get3A_549 = vector.shape_cast %get3A_548 : vector<1x16xf32> to vector<16xf32>
      %add3A_550 = arith.addf %add3A_536, %get3A_549 : vector<16xf32>
      %add3A_551 = arith.constant 37 : i32
      %add3A_552 = arith.addi %mul3A_33, %add3A_551 : i32
      %get3A_553 = arith.index_cast %add3A_552 : i32 to index
      %get3A_554 = arith.constant 0 : index
      %get3A_555 = tpu.vector_load %arg8[%get3A_553, %get3A_554] {strides = array<i32>} : memref<800x32xf32, #tpu.memory_space<vmem>>, vector<1x16xf32>,
      %get3A_556 = vector.shape_cast %get3A_555 : vector<1x16xf32> to vector<16xf32>
      %add3A_557 = arith.addf %add3A_543, %get3A_556 : vector<16xf32>
      %add3A_558 = arith.constant 37 : i32
      %add3A_559 = arith.addi %mul3A_33, %add3A_558 : i32
      %get3A_560 = arith.index_cast %add3A_559 : i32 to index
      %get3A_561 = arith.constant 16 : index
      %get3A_562 = tpu.vector_load %arg8[%get3A_560, %get3A_561] {strides = array<i32>} : memref<800x32xf32, #tpu.memory_space<vmem>>, vector<1x16xf32>,
      %get3A_563 = vector.shape_cast %get3A_562 : vector<1x16xf32> to vector<16xf32>
      %add3A_564 = arith.addf %add3A_550, %get3A_563 : vector<16xf32>
      %add3A_565 = arith.constant 38 : i32
      %add3A_566 = arith.addi %mul3A_33, %add3A_565 : i32
      %get3A_567 = arith.index_cast %add3A_566 : i32 to index
      %get3A_568 = arith.constant 0 : index
      %get3A_569 = tpu.vector_load %arg8[%get3A_567, %get3A_568] {strides = array<i32>} : memref<800x32xf32, #tpu.memory_space<vmem>>, vector<1x16xf32>,
      %get3A_570 = vector.shape_cast %get3A_569 : vector<1x16xf32> to vector<16xf32>
      %add3A_571 = arith.addf %add3A_557, %get3A_570 : vector<16xf32>
      %add3A_572 = arith.constant 38 : i32
      %add3A_573 = arith.addi %mul3A_33, %add3A_572 : i32
      %get3A_574 = arith.index_cast %add3A_573 : i32 to index
      %get3A_575 = arith.constant 16 : index
      %get3A_576 = tpu.vector_load %arg8[%get3A_574, %get3A_575] {strides = array<i32>} : memref<800x32xf32, #tpu.memory_space<vmem>>, vector<1x16xf32>,
      %get3A_577 = vector.shape_cast %get3A_576 : vector<1x16xf32> to vector<16xf32>
      %add3A_578 = arith.addf %add3A_564, %get3A_577 : vector<16xf32>
      %add3A_579 = arith.constant 39 : i32
      %add3A_580 = arith.addi %mul3A_33, %add3A_579 : i32
      %get3A_581 = arith.index_cast %add3A_580 : i32 to index
      %get3A_582 = arith.constant 0 : index
      %get3A_583 = tpu.vector_load %arg8[%get3A_581, %get3A_582] {strides = array<i32>} : memref<800x32xf32, #tpu.memory_space<vmem>>, vector<1x16xf32>,
      %get3A_584 = vector.shape_cast %get3A_583 : vector<1x16xf32> to vector<16xf32>
      %add3A_585 = arith.addf %add3A_571, %get3A_584 : vector<16xf32>
      %add3A_586 = arith.constant 39 : i32
      %add3A_587 = arith.addi %mul3A_33, %add3A_586 : i32
      %get3A_588 = arith.index_cast %add3A_587 : i32 to index
      %get3A_589 = arith.constant 16 : index
      %get3A_590 = tpu.vector_load %arg8[%get3A_588, %get3A_589] {strides = array<i32>} : memref<800x32xf32, #tpu.memory_space<vmem>>, vector<1x16xf32>,
      %get3A_591 = vector.shape_cast %get3A_590 : vector<1x16xf32> to vector<16xf32>
      %add3A_592 = arith.addf %add3A_578, %get3A_591 : vector<16xf32>
      %add3A_593 = arith.constant 40 : i32
      %add3A_594 = arith.addi %mul3A_33, %add3A_593 : i32
      %get3A_595 = arith.index_cast %add3A_594 : i32 to index
      %get3A_596 = arith.constant 0 : index
      %get3A_597 = tpu.vector_load %arg8[%get3A_595, %get3A_596] {strides = array<i32>} : memref<800x32xf32, #tpu.memory_space<vmem>>, vector<1x16xf32>,
      %get3A_598 = vector.shape_cast %get3A_597 : vector<1x16xf32> to vector<16xf32>
      %add3A_599 = arith.addf %add3A_585, %get3A_598 : vector<16xf32>
      %add3A_600 = arith.constant 40 : i32
      %add3A_601 = arith.addi %mul3A_33, %add3A_600 : i32
      %get3A_602 = arith.index_cast %add3A_601 : i32 to index
      %get3A_603 = arith.constant 16 : index
      %get3A_604 = tpu.vector_load %arg8[%get3A_602, %get3A_603] {strides = array<i32>} : memref<800x32xf32, #tpu.memory_space<vmem>>, vector<1x16xf32>,
      %get3A_605 = vector.shape_cast %get3A_604 : vector<1x16xf32> to vector<16xf32>
      %add3A_606 = arith.addf %add3A_592, %get3A_605 : vector<16xf32>
      %add3A_607 = arith.constant 41 : i32
      %add3A_608 = arith.addi %mul3A_33, %add3A_607 : i32
      %get3A_609 = arith.index_cast %add3A_608 : i32 to index
      %get3A_610 = arith.constant 0 : index
      %get3A_611 = tpu.vector_load %arg8[%get3A_609, %get3A_610] {strides = array<i32>} : memref<800x32xf32, #tpu.memory_space<vmem>>, vector<1x16xf32>,
      %get3A_612 = vector.shape_cast %get3A_611 : vector<1x16xf32> to vector<16xf32>
      %add3A_613 = arith.addf %add3A_599, %get3A_612 : vector<16xf32>
      %add3A_614 = arith.constant 41 : i32
      %add3A_615 = arith.addi %mul3A_33, %add3A_614 : i32
      %get3A_616 = arith.index_cast %add3A_615 : i32 to index
      %get3A_617 = arith.constant 16 : index
      %get3A_618 = tpu.vector_load %arg8[%get3A_616, %get3A_617] {strides = array<i32>} : memref<800x32xf32, #tpu.memory_space<vmem>>, vector<1x16xf32>,
      %get3A_619 = vector.shape_cast %get3A_618 : vector<1x16xf32> to vector<16xf32>
      %add3A_620 = arith.addf %add3A_606, %get3A_619 : vector<16xf32>
      %add3A_621 = arith.constant 42 : i32
      %add3A_622 = arith.addi %mul3A_33, %add3A_621 : i32
      %get3A_623 = arith.index_cast %add3A_622 : i32 to index
      %get3A_624 = arith.constant 0 : index
      %get3A_625 = tpu.vector_load %arg8[%get3A_623, %get3A_624] {strides = array<i32>} : memref<800x32xf32, #tpu.memory_space<vmem>>, vector<1x16xf32>,
      %get3A_626 = vector.shape_cast %get3A_625 : vector<1x16xf32> to vector<16xf32>
      %add3A_627 = arith.addf %add3A_613, %get3A_626 : vector<16xf32>
      %add3A_628 = arith.constant 42 : i32
      %add3A_629 = arith.addi %mul3A_33, %add3A_628 : i32
      %get3A_630 = arith.index_cast %add3A_629 : i32 to index
      %get3A_631 = arith.constant 16 : index
      %get3A_632 = tpu.vector_load %arg8[%get3A_630, %get3A_631] {strides = array<i32>} : memref<800x32xf32, #tpu.memory_space<vmem>>, vector<1x16xf32>,
      %get3A_633 = vector.shape_cast %get3A_632 : vector<1x16xf32> to vector<16xf32>
      %add3A_634 = arith.addf %add3A_620, %get3A_633 : vector<16xf32>
      %add3A_635 = arith.constant 43 : i32
      %add3A_636 = arith.addi %mul3A_33, %add3A_635 : i32
      %get3A_637 = arith.index_cast %add3A_636 : i32 to index
      %get3A_638 = arith.constant 0 : index
      %get3A_639 = tpu.vector_load %arg8[%get3A_637, %get3A_638] {strides = array<i32>} : memref<800x32xf32, #tpu.memory_space<vmem>>, vector<1x16xf32>,
      %get3A_640 = vector.shape_cast %get3A_639 : vector<1x16xf32> to vector<16xf32>
      %add3A_641 = arith.addf %add3A_627, %get3A_640 : vector<16xf32>
      %add3A_642 = arith.constant 43 : i32
      %add3A_643 = arith.addi %mul3A_33, %add3A_642 : i32
      %get3A_644 = arith.index_cast %add3A_643 : i32 to index
      %get3A_645 = arith.constant 16 : index
      %get3A_646 = tpu.vector_load %arg8[%get3A_644, %get3A_645] {strides = array<i32>} : memref<800x32xf32, #tpu.memory_space<vmem>>, vector<1x16xf32>,
      %get3A_647 = vector.shape_cast %get3A_646 : vector<1x16xf32> to vector<16xf32>
      %add3A_648 = arith.addf %add3A_634, %get3A_647 : vector<16xf32>
      %add3A_649 = arith.constant 44 : i32
      %add3A_650 = arith.addi %mul3A_33, %add3A_649 : i32
      %get3A_651 = arith.index_cast %add3A_650 : i32 to index
      %get3A_652 = arith.constant 0 : index
      %get3A_653 = tpu.vector_load %arg8[%get3A_651, %get3A_652] {strides = array<i32>} : memref<800x32xf32, #tpu.memory_space<vmem>>, vector<1x16xf32>,
      %get3A_654 = vector.shape_cast %get3A_653 : vector<1x16xf32> to vector<16xf32>
      %add3A_655 = arith.addf %add3A_641, %get3A_654 : vector<16xf32>
      %add3A_656 = arith.constant 44 : i32
      %add3A_657 = arith.addi %mul3A_33, %add3A_656 : i32
      %get3A_658 = arith.index_cast %add3A_657 : i32 to index
      %get3A_659 = arith.constant 16 : index
      %get3A_660 = tpu.vector_load %arg8[%get3A_658, %get3A_659] {strides = array<i32>} : memref<800x32xf32, #tpu.memory_space<vmem>>, vector<1x16xf32>,
      %get3A_661 = vector.shape_cast %get3A_660 : vector<1x16xf32> to vector<16xf32>
      %add3A_662 = arith.addf %add3A_648, %get3A_661 : vector<16xf32>
      %add3A_663 = arith.constant 45 : i32
      %add3A_664 = arith.addi %mul3A_33, %add3A_663 : i32
      %get3A_665 = arith.index_cast %add3A_664 : i32 to index
      %get3A_666 = arith.constant 0 : index
      %get3A_667 = tpu.vector_load %arg8[%get3A_665, %get3A_666] {strides = array<i32>} : memref<800x32xf32, #tpu.memory_space<vmem>>, vector<1x16xf32>,
      %get3A_668 = vector.shape_cast %get3A_667 : vector<1x16xf32> to vector<16xf32>
      %add3A_669 = arith.addf %add3A_655, %get3A_668 : vector<16xf32>
      %add3A_670 = arith.constant 45 : i32
      %add3A_671 = arith.addi %mul3A_33, %add3A_670 : i32
      %get3A_672 = arith.index_cast %add3A_671 : i32 to index
      %get3A_673 = arith.constant 16 : index
      %get3A_674 = tpu.vector_load %arg8[%get3A_672, %get3A_673] {strides = array<i32>} : memref<800x32xf32, #tpu.memory_space<vmem>>, vector<1x16xf32>,
      %get3A_675 = vector.shape_cast %get3A_674 : vector<1x16xf32> to vector<16xf32>
      %add3A_676 = arith.addf %add3A_662, %get3A_675 : vector<16xf32>
      %add3A_677 = arith.constant 46 : i32
      %add3A_678 = arith.addi %mul3A_33, %add3A_677 : i32
      %get3A_679 = arith.index_cast %add3A_678 : i32 to index
      %get3A_680 = arith.constant 0 : index
      %get3A_681 = tpu.vector_load %arg8[%get3A_679, %get3A_680] {strides = array<i32>} : memref<800x32xf32, #tpu.memory_space<vmem>>, vector<1x16xf32>,
      %get3A_682 = vector.shape_cast %get3A_681 : vector<1x16xf32> to vector<16xf32>
      %add3A_683 = arith.addf %add3A_669, %get3A_682 : vector<16xf32>
      %add3A_684 = arith.constant 46 : i32
      %add3A_685 = arith.addi %mul3A_33, %add3A_684 : i32
      %get3A_686 = arith.index_cast %add3A_685 : i32 to index
      %get3A_687 = arith.constant 16 : index
      %get3A_688 = tpu.vector_load %arg8[%get3A_686, %get3A_687] {strides = array<i32>} : memref<800x32xf32, #tpu.memory_space<vmem>>, vector<1x16xf32>,
      %get3A_689 = vector.shape_cast %get3A_688 : vector<1x16xf32> to vector<16xf32>
      %add3A_690 = arith.addf %add3A_676, %get3A_689 : vector<16xf32>
      %add3A_691 = arith.constant 47 : i32
      %add3A_692 = arith.addi %mul3A_33, %add3A_691 : i32
      %get3A_693 = arith.index_cast %add3A_692 : i32 to index
      %get3A_694 = arith.constant 0 : index
      %get3A_695 = tpu.vector_load %arg8[%get3A_693, %get3A_694] {strides = array<i32>} : memref<800x32xf32, #tpu.memory_space<vmem>>, vector<1x16xf32>,
      %get3A_696 = vector.shape_cast %get3A_695 : vector<1x16xf32> to vector<16xf32>
      %add3A_697 = arith.addf %add3A_683, %get3A_696 : vector<16xf32>
      %add3A_698 = arith.constant 47 : i32
      %add3A_699 = arith.addi %mul3A_33, %add3A_698 : i32
      %get3A_700 = arith.index_cast %add3A_699 : i32 to index
      %get3A_701 = arith.constant 16 : index
      %get3A_702 = tpu.vector_load %arg8[%get3A_700, %get3A_701] {strides = array<i32>} : memref<800x32xf32, #tpu.memory_space<vmem>>, vector<1x16xf32>,
      %get3A_703 = vector.shape_cast %get3A_702 : vector<1x16xf32> to vector<16xf32>
      %add3A_704 = arith.addf %add3A_690, %get3A_703 : vector<16xf32>
      %add3A_705 = arith.constant 48 : i32
      %add3A_706 = arith.addi %mul3A_33, %add3A_705 : i32
      %get3A_707 = arith.index_cast %add3A_706 : i32 to index
      %get3A_708 = arith.constant 0 : index
      %get3A_709 = tpu.vector_load %arg8[%get3A_707, %get3A_708] {strides = array<i32>} : memref<800x32xf32, #tpu.memory_space<vmem>>, vector<1x16xf32>,
      %get3A_710 = vector.shape_cast %get3A_709 : vector<1x16xf32> to vector<16xf32>
      %add3A_711 = arith.addf %add3A_697, %get3A_710 : vector<16xf32>
      %add3A_712 = arith.constant 48 : i32
      %add3A_713 = arith.addi %mul3A_33, %add3A_712 : i32
      %get3A_714 = arith.index_cast %add3A_713 : i32 to index
      %get3A_715 = arith.constant 16 : index
      %get3A_716 = tpu.vector_load %arg8[%get3A_714, %get3A_715] {strides = array<i32>} : memref<800x32xf32, #tpu.memory_space<vmem>>, vector<1x16xf32>,
      %get3A_717 = vector.shape_cast %get3A_716 : vector<1x16xf32> to vector<16xf32>
      %add3A_718 = arith.addf %add3A_704, %get3A_717 : vector<16xf32>
      %add3A_719 = arith.constant 49 : i32
      %add3A_720 = arith.addi %mul3A_33, %add3A_719 : i32
      %get3A_721 = arith.index_cast %add3A_720 : i32 to index
      %get3A_722 = arith.constant 0 : index
      %get3A_723 = tpu.vector_load %arg8[%get3A_721, %get3A_722] {strides = array<i32>} : memref<800x32xf32, #tpu.memory_space<vmem>>, vector<1x16xf32>,
      %get3A_724 = vector.shape_cast %get3A_723 : vector<1x16xf32> to vector<16xf32>
      %add3A_725 = arith.addf %add3A_711, %get3A_724 : vector<16xf32>
      %add3A_726 = arith.constant 49 : i32
      %add3A_727 = arith.addi %mul3A_33, %add3A_726 : i32
      %get3A_728 = arith.index_cast %add3A_727 : i32 to index
      %get3A_729 = arith.constant 16 : index
      %get3A_730 = tpu.vector_load %arg8[%get3A_728, %get3A_729] {strides = array<i32>} : memref<800x32xf32, #tpu.memory_space<vmem>>, vector<1x16xf32>,
      %get3A_731 = vector.shape_cast %get3A_730 : vector<1x16xf32> to vector<16xf32>
      %add3A_732 = arith.addf %add3A_718, %get3A_731 : vector<16xf32>
      %add3A_733 = arith.constant 16 : i32
      %add3A_734 = arith.addi %add3A_733, %scan3A_28 : i32
      %swap3A = arith.index_cast %add3A_734 : i32 to index
      %swap3A_735 = arith.constant 0 : index
      %swap3A_736 = tpu.vector_load %arg9[%swap3A, %swap3A_735] {strides = array<i32>} : memref<32x32xf32, #tpu.memory_space<vmem>>, vector<1x16xf32>,
      %swap3A_737 = vector.shape_cast %swap3A_736 : vector<1x16xf32> to vector<16xf32>
      %swap3A_738 = vector.shape_cast %add3A_725 : vector<16xf32> to vector<1x16xf32>
      tpu.vector_store %arg9[%swap3A, %swap3A_735], %swap3A_738 {strides = array<i32>} : memref<32x32xf32, #tpu.memory_space<vmem>>, vector<1x16xf32>,
      %add3A_739 = arith.constant 16 : i32
      %add3A_740 = arith.addi %add3A_739, %scan3A_28 : i32
      %swap3A_741 = arith.index_cast %add3A_740 : i32 to index
      %swap3A_742 = arith.constant 16 : index
      %swap3A_743 = tpu.vector_load %arg9[%swap3A_741, %swap3A_742] {strides = array<i32>} : memref<32x32xf32, #tpu.memory_space<vmem>>, vector<1x16xf32>,
      %swap3A_744 = vector.shape_cast %swap3A_743 : vector<1x16xf32> to vector<16xf32>
      %swap3A_745 = vector.shape_cast %add3A_732 : vector<16xf32> to vector<1x16xf32>
      tpu.vector_store %arg9[%swap3A_741, %swap3A_742], %swap3A_745 {strides = array<i32>} : memref<32x32xf32, #tpu.memory_space<vmem>>, vector<1x16xf32>,
    }
    %scan3A_25 = arith.constant 16 : i32
    %mul3A_26 = arith.constant 32 : i32
    %mul3A_27 = arith.muli %add3A, %mul3A_26 : i32
    "tpu.region"() ({
      %run_scoped3A = tpu.sem_alloc : memref<!tpu.dma_semaphore, #tpu.memory_space<semaphore_mem>>
      %dma_start3A_28 = arith.constant 0 : i32
      %dma_start3A_29 = tpu.memref_slice %arg4[%mul3A_27, %dma_start3A_28] : memref<1024x32xf32, #tpu.memory_space<hbm>> -> memref<32x32xf32, #tpu.memory_space<hbm>>
      %dma_start3A_30 = arith.constant 0 : i32
      %dma_start3A_31 = tpu.memref_slice %arg4[%mul3A_27, %dma_start3A_30] : memref<1024x32xf32, #tpu.memory_space<hbm>> -> memref<32x32xf32, #tpu.memory_space<hbm>>
      tpu.enqueue_dma source(%arg9 : memref<32x32xf32, #tpu.memory_space<vmem>>) target(%dma_start3A_31 : memref<32x32xf32, #tpu.memory_space<hbm>>) target_semaphore(%run_scoped3A : memref<!tpu.dma_semaphore, #tpu.memory_space<semaphore_mem>>)
      %dma_wait3A_32 = arith.constant 0 : i32
      %dma_wait3A_33 = tpu.memref_slice %arg4[%mul3A_27, %dma_wait3A_32] : memref<1024x32xf32, #tpu.memory_space<hbm>> -> memref<32x32xf32, #tpu.memory_space<hbm>>
      %dma_wait3A_34 = arith.constant 0 : i32
      %dma_wait3A_35 = tpu.memref_slice %arg4[%mul3A_27, %dma_wait3A_34] : memref<1024x32xf32, #tpu.memory_space<hbm>> -> memref<32x32xf32, #tpu.memory_space<hbm>>
      tpu.wait_dma2 semaphore(%run_scoped3A : memref<!tpu.dma_semaphore, #tpu.memory_space<semaphore_mem>>) src(%arg9 : memref<32x32xf32, #tpu.memory_space<vmem>>) dst(%dma_wait3A_35 : memref<32x32xf32, #tpu.memory_space<hbm>>)
      tpu.yield
    }) : () -> ()
    return
  }
}

module attributes {stable_mosaic.version = 14 : i64} {
  func.func @_mlp_kernel(%arg0: i32, %arg1: memref<1024x32xf32, #tpu.memory_space<vmem>>, %arg2: memref<128x32xf32, #tpu.memory_space<vmem>>, %arg3: memref<128x1xf32, #tpu.memory_space<vmem>>, %arg4: memref<5632x128xf32, #tpu.memory_space<vmem>>, %arg5: memref<5632x1xf32, #tpu.memory_space<vmem>>, %arg6: memref<5632x1024xf32, #tpu.memory_space<vmem>>, %arg7: memref<128x1024xf32, #tpu.memory_space<vmem>>) attributes {dimension_semantics = [#tpu.dimension_semantics<arbitrary>], iteration_bounds = array<i64: 18>, scalar_prefetch = 0 : i64, scratch_operands = 1 : i64, tpu.core_type = #tpu.core_type<tc>, window_params = [{pipeline_mode = #tpu.pipeline_mode<synchronous>, transform_indices = @transform_0, window_bounds = array<i64: 1024, 32>}, {pipeline_mode = #tpu.pipeline_mode<synchronous>, transform_indices = @transform_1, window_bounds = array<i64: 128, 32>}, {pipeline_mode = #tpu.pipeline_mode<synchronous>, transform_indices = @transform_2, window_bounds = array<i64: 128, 1>}, {transform_indices = @transform_3, window_bounds = array<i64: 5632, 128>}, {transform_indices = @transform_4, window_bounds = array<i64: 5632, 1>}, {transform_indices = @transform_5, window_bounds = array<i64: 5632, 1024>}]} {
    %eq3A = arith.constant 0 : i32
    %eq3A_0 = arith.cmpi eq, %arg0, %eq3A : i32
    %convert_element_type3A = arith.extui %eq3A_0 : i1 to i32
    %cond3A = arith.constant 0 : i32
    %cond3A_1 = arith.cmpi ne, %convert_element_type3A, %cond3A : i32
    scf.if %cond3A_1 {
      %get3A_14 = arith.constant 0 : index
      %get3A_15 = arith.constant 0 : index
      %get3A_16 = vector.load %arg2[%get3A_14, %get3A_15] : memref<128x32xf32, #tpu.memory_space<vmem>>, vector<128x32xf32>
      %get3A_17 = arith.constant 0 : index
      %get3A_18 = arith.constant 0 : index
      %get3A_19 = vector.load %arg1[%get3A_17, %get3A_18] : memref<1024x32xf32, #tpu.memory_space<vmem>>, vector<1024x32xf32>
      %dot_general3A_20 = arith.constant dense<0.000000e+00> : vector<128x1024xf32>
      %dot_general3A_21 = tpu.matmul %get3A_16, %get3A_19, %dot_general3A_20 {dimension_numbers = #tpu.dot_dimension_numbers<[1], [1], [0], [0], [0, 0, 1, 0], [], []>, transpose_lhs_hint = false} : vector<128x32xf32>, vector<1024x32xf32>, vector<128x1024xf32> -> vector<128x1024xf32>
      %get3A_22 = arith.constant 0 : index
      %get3A_23 = arith.constant 0 : index
      %get3A_24 = vector.load %arg3[%get3A_22, %get3A_23] : memref<128x1xf32, #tpu.memory_space<vmem>>, vector<128x1xf32>
      %add3A_25 = vector.broadcast %get3A_24 : vector<128x1xf32> to vector<128x1024xf32>
      %add3A_26 = arith.addf %dot_general3A_21, %add3A_25 : vector<128x1024xf32>
      %max3A = arith.constant 0.000000e+00 : f32
      %max3A_27 = vector.broadcast %max3A : f32 to vector<128x1024xf32>
      %max3A_28 = arith.maximumf %add3A_26, %max3A_27 : vector<128x1024xf32>
      %swap3A_29 = arith.constant 0 : index
      %swap3A_30 = arith.constant 0 : index
      %swap3A_31 = vector.load %arg7[%swap3A_29, %swap3A_30] : memref<128x1024xf32, #tpu.memory_space<vmem>>, vector<128x1024xf32>
      tpu.vector_store %arg7[%swap3A_29, %swap3A_30], %max3A_28 {strides = array<i32>} : memref<128x1024xf32, #tpu.memory_space<vmem>>, vector<128x1024xf32>,
    } else {
    }
    %get3A = arith.constant 0 : index
    %get3A_2 = arith.constant 0 : index
    %get3A_3 = vector.load %arg4[%get3A, %get3A_2] : memref<5632x128xf32, #tpu.memory_space<vmem>>, vector<5632x128xf32>
    %get3A_4 = arith.constant 0 : index
    %get3A_5 = arith.constant 0 : index
    %get3A_6 = vector.load %arg7[%get3A_4, %get3A_5] : memref<128x1024xf32, #tpu.memory_space<vmem>>, vector<128x1024xf32>
    %dot_general3A = arith.constant dense<0.000000e+00> : vector<5632x1024xf32>
    %dot_general3A_7 = tpu.matmul %get3A_3, %get3A_6, %dot_general3A {dimension_numbers = #tpu.dot_dimension_numbers<[1], [0], [0], [1], [0, 0, 1, 1], [], []>, transpose_lhs_hint = false} : vector<5632x128xf32>, vector<128x1024xf32>, vector<5632x1024xf32> -> vector<5632x1024xf32>
    %get3A_8 = arith.constant 0 : index
    %get3A_9 = arith.constant 0 : index
    %get3A_10 = vector.load %arg5[%get3A_8, %get3A_9] : memref<5632x1xf32, #tpu.memory_space<vmem>>, vector<5632x1xf32>
    %add3A = vector.broadcast %get3A_10 : vector<5632x1xf32> to vector<5632x1024xf32>
    %add3A_11 = arith.addf %dot_general3A_7, %add3A : vector<5632x1024xf32>
    %swap3A = arith.constant 0 : index
    %swap3A_12 = arith.constant 0 : index
    %swap3A_13 = vector.load %arg6[%swap3A, %swap3A_12] : memref<5632x1024xf32, #tpu.memory_space<vmem>>, vector<5632x1024xf32>
    tpu.vector_store %arg6[%swap3A, %swap3A_12], %add3A_11 {strides = array<i32>} : memref<5632x1024xf32, #tpu.memory_space<vmem>>, vector<5632x1024xf32>,
    return
  }
  func.func @transform_0(%arg0: i32) -> (i32, i32) {
    %c0_i32 = arith.constant 0 : i32
    %c0_i32_0 = arith.constant 0 : i32
    %c0_i32_1 = arith.constant 0 : i32
    return %c0_i32, %c0_i32_0 : i32, i32
  }
  func.func @transform_1(%arg0: i32) -> (i32, i32) {
    %c0_i32 = arith.constant 0 : i32
    %c0_i32_0 = arith.constant 0 : i32
    %c0_i32_1 = arith.constant 0 : i32
    return %c0_i32, %c0_i32_0 : i32, i32
  }
  func.func @transform_2(%arg0: i32) -> (i32, i32) {
    %c0_i32 = arith.constant 0 : i32
    %c0_i32_0 = arith.constant 0 : i32
    %c0_i32_1 = arith.constant 0 : i32
    return %c0_i32, %c0_i32_0 : i32, i32
  }
  func.func @transform_3(%arg0: i32) -> (i32, i32) {
    %c0_i32 = arith.constant 0 : i32
    %c0_i32_0 = arith.constant 0 : i32
    return %arg0, %c0_i32 : i32, i32
  }
  func.func @transform_4(%arg0: i32) -> (i32, i32) {
    %c0_i32 = arith.constant 0 : i32
    %c0_i32_0 = arith.constant 0 : i32
    return %arg0, %c0_i32 : i32, i32
  }
  func.func @transform_5(%arg0: i32) -> (i32, i32) {
    %c0_i32 = arith.constant 0 : i32
    %c0_i32_0 = arith.constant 0 : i32
    return %arg0, %c0_i32 : i32, i32
  }
}

</mosaic_0001>

<sc_bundles>
// kernel: kernel.4.cloned.1.call-start
scs
__scs_entry_jumppad:
0x0: {  	(pc) =	sbr.rel $0x88, $3  }
0x1: {  	(tag) =	ssettag $0x0;
	lr =	simm.s32 $0x1  }
0x2: {  	[smem:$0x3F9B] =	sst lr;
	_ =	strace $0xD0000000  }
0x3: {  	_ = 	snop  }
0x4: {  	_ = 	snop  }
0x5: {  	_ = 	snop  }
0x6: {  	_ = 	snop  }
0x7: {  	_ = 	snop  }
__scs_overlays_trampoline_lowered:
0x8: {  	[smem:$0x3FAA] =	sst s0  }
0x9: {  	[smem:$0x3FAB] =	sst s1  }
0xa: {  	[smem:$0x3FAC] =	sst s2  }
0xb: {  	[smem:$0x3FAD] =	sst s3  }
0xc: {  	[smem:$0x3FAE] =	sst s4  }
0xd: {  	[smem:$0x3FAF] =	sst s5  }
0xe: {  	[smem:$0x3FB0] =	sst s6  }
0xf: {  	[smem:$0x3FB1] =	sst s7  }
0x10: {  	[smem:$0x3FB2] =	sst s8  }
0x11: {  	[smem:$0x3FB3] =	sst s9;
	s0 =	simm.s32 @!p0 $0x0  }
0x12: {  	s1 =	sld [smem:$0x3F99];
	s0 =	simm.s32 @p0 $0x1  }
0x13: {  	[smem:$0x3FB4] =	sst s0;
	s0 =	simm.s32 @!p1 $0x0  }
0x14: {  	s2 =	sld [smem:$0x3F98];
	s0 =	simm.s32 @p1 $0x1  }
0x15: {  	[smem:$0x3FB5] =	sst s0;
	s0 =	simm.s32 @!p2 $0x0  }
0x16: {  	s3 =	sld [smem:$0x3FDB];
	s0 =	simm.s32 @p2 $0x1  }
0x17: {  	s4 =	simm.s32 $0x1BF5;
	[smem:$0x3FB7] =	sst s0  }
0x18: {  	s0 =	sld [smem:$0x3F9A];
	_ =	swait.ge [sflag:s4], $0x0  }
0x19: {  	s7 =	sld [smem:$0x3F9B]  }
0x1a: {  	s8 =	sadd.s32 $0xFFFFE003, lr  }
0x1b: {  	s9 =	sadd.s32 $0xFFFFFEF7, lr;
	s5 =	simm.s32 $0xFFFFFFFF;
	p2 =	slt.u32 s8, $0xFFFFF086  }
0x1c: {  	p1 =	slt.u32 s9, $0xF7A;
	s5 =	simm.s32 @!p2 $0x0  }
0x1d: {  	s5 =	simm.s32 @p1 $0x1;
	p0 =	seq.s32 s7, s2  }
0x1e: {  	s7 =	smul.u32 @!p0 $0xF7A, s2;
	p2 =	seq.s32 @!p0 s5, $0x0  }
0x1f: {  	s9 =	smul.u32 $0xF7A, s1;
	s8 =	simm.s32 @!p0 $0x1BF5;
	p2 =	por !p2, p0  }
0x20: {  	[sflag:s8] =	ssyncset.s32 @!p0 $0xFFFFF086;
	s6 =	sadd.s32 @!p0 s3, s7;
	s7 =	simm.s32 @!p0 $0x108  }
0x21: {  	s3 =	sadd.s32 s3, s9;
	s6 =	sadd.s32 @!p0 $0x88, s6;
	s7 =	simm.s32 @p2 $0x1082  }
0x22: {  	[simem:s7], [sflag:s8] =	dma.local @!p0 [hbm:s6], $0xF7A  }
0x23: {  	s9 =	sor.u32 $0xD0000000, s2;
	s6 =	simm.s32 $0x108;
	_ =	swait.ge @!p0 [sflag:s8], $0x0  }
0x24: {  	s3 =	sadd.s32 $0x88, s3;
	s6 =	simm.s32 @!p1 $0x1082;
	[sflag:s4] =	ssyncset.s32 $0xFFFFF086  }
0x25: {  	[simem:s6], [sflag:s4] =	dma.local [hbm:s3], $0xF7A  }
0x26: {  	[smem:$0x3F9B] =	sst s1;
	(tag) =	ssettag s2;
	_ =	strace s9  }
0x27: {  	s1 =	sld [smem:$0x3FAB]  }
0x28: {  	s2 =	sld [smem:$0x3FAC]  }
0x29: {  	s4 =	sld [smem:$0x3FAE]  }
0x2a: {  	p0 =	seq.s32 s5, $0x0;
	s5 =	sld [smem:$0x3FAF]  }
0x2b: {  	s6 =	sld [smem:$0x3FB0]  }
0x2c: {  	s7 =	sld [smem:$0x3FB1]  }
0x2d: {  	s3 =	simm.s32 $0x108;
	s8 =	sld [smem:$0x3FB2]  }
0x2e: {  	s3 =	simm.s32 @!p0 $0x1082;
	s9 =	sld [smem:$0x3FB3]  }
0x2f: {  	lr =	sadd.s32 s0, s3;
	s0 =	sld [smem:$0x3FAA]  }
0x30: {  	s3 =	sld [smem:$0x3FAD]  }
0x31: {  	[smem:$0x3FB6] =	sst s10  }
0x32: {  	s10 =	sld [smem:$0x3FB4];
	_ =	sdelay $0x3  }
0x33: {  	p0 =	seq.s32 s10, $0x1;
	s10 =	sld [smem:$0x3FB6];
	_ =	sdelay $0x3  }
0x34: {  	[smem:$0x3FB6] =	sst s10  }
0x35: {  	s10 =	sld [smem:$0x3FB5];
	_ =	sdelay $0x3  }
0x36: {  	p1 =	seq.s32 s10, $0x1;
	s10 =	sld [smem:$0x3FB6];
	_ =	sdelay $0x3  }
0x37: {  	[smem:$0x3FB6] =	sst s10  }
0x38: {  	s10 =	sld [smem:$0x3FB7]  }
0x39: {  	_ = 	snop;
	(pc) =	sbr.ind lr, $3  }
0x3a: {  	_ = 	snop  }
0x3b: {  	_ = 	snop  }
0x3c: {  	p2 =	seq.s32 s10, $0x1;
	s10 =	sld [smem:$0x3FB6]  }
0x3d: {  	_ =	shalt  }
0x3e: {  	_ =	shalt  }
0x3f: {  	_ =	shalt  }
0x40: {  	_ =	shalt  }
0x41: {  	_ =	shalt  }
0x42: {  	_ =	shalt  }
0x43: {  	_ =	shalt  }
0x44: {  	_ =	shalt  }
0x45: {  	_ =	shalt  }
0x46: {  	_ =	shalt  }
0x47: {  	_ =	shalt  }
0x48: {  	_ =	shalt  }
0x49: {  	_ =	shalt  }
0x4a: {  	_ =	shalt  }
0x4b: {  	_ =	shalt  }
0x4c: {  	_ =	shalt  }
0x4d: {  	_ =	shalt  }
0x4e: {  	_ =	shalt  }
0x4f: {  	_ =	shalt  }
0x50: {  	_ =	shalt  }
0x51: {  	_ =	shalt  }
0x52: {  	_ =	shalt  }
0x53: {  	_ =	shalt  }
0x54: {  	_ =	shalt  }
0x55: {  	_ =	shalt  }
0x56: {  	_ =	shalt  }
0x57: {  	_ =	shalt  }
0x58: {  	_ =	shalt  }
0x59: {  	_ =	shalt  }
0x5a: {  	_ =	shalt  }
0x5b: {  	_ =	shalt  }
0x5c: {  	_ =	shalt  }
0x5d: {  	_ =	shalt  }
0x5e: {  	_ =	shalt  }
0x5f: {  	_ =	shalt  }
0x60: {  	_ =	shalt  }
0x61: {  	_ =	shalt  }
0x62: {  	_ =	shalt  }
0x63: {  	_ =	shalt  }
0x64: {  	_ =	shalt  }
0x65: {  	_ =	shalt  }
0x66: {  	_ =	shalt  }
0x67: {  	_ =	shalt  }
0x68: {  	_ =	shalt  }
0x69: {  	_ =	shalt  }
0x6a: {  	_ =	shalt  }
0x6b: {  	_ =	shalt  }
0x6c: {  	_ =	shalt  }
0x6d: {  	_ =	shalt  }
0x6e: {  	_ =	shalt  }
0x6f: {  	_ =	shalt  }
0x70: {  	_ =	shalt  }
0x71: {  	_ =	shalt  }
0x72: {  	_ =	shalt  }
0x73: {  	_ =	shalt  }
0x74: {  	_ =	shalt  }
0x75: {  	_ =	shalt  }
0x76: {  	_ =	shalt  }
0x77: {  	_ =	shalt  }
0x78: {  	_ =	shalt  }
0x79: {  	_ =	shalt  }
0x7a: {  	_ =	shalt  }
0x7b: {  	_ =	shalt  }
0x7c: {  	_ =	shalt  }
0x7d: {  	_ =	shalt  }
0x7e: {  	_ =	shalt  }
0x7f: {  	_ =	shalt  }
0x80: {  	_ =	shalt  }
0x81: {  	_ =	shalt  }
0x82: {  	_ =	shalt  }
0x83: {  	_ =	shalt  }
0x84: {  	_ =	shalt  }
0x85: {  	_ =	shalt  }
0x86: {  	_ =	shalt  }
0x87: {  	_ =	shalt  }
.Lfunc_end0:
.L_simem_size_0:
called_computation_lowered:
.L_overlay_start_0:
0x88: {  	s2 =	sld [smem:$0x3FD9]  }
0x89: {  	s3 =	sld [smem:$0x3FFE];
	_ =	sdelay $0x1  }
0x8a: {  	s1 =	srdreg.scid  }
0x8b: {  	s0 =	sand.u32 $0x1, s1  }
0x8c: {  	s17 =	sshll.u32 s0, $0xA;
	s2 =	sadd.s32 s3, s2  }
0x8d: {  	s2 =	sadd.s32 s2, s17  }
0x8e: {  	[smem:$0x3FC2] =	sst s2  }
0x8f: {  	_ = 	snop  }
0x90: {  	s2 =	sld [smem:$0x3FD0];
	(tm) =	ssettm $0x1  }
0x91: {  	s18 =	sld [smem:$0x3FFB];
	_ =	sdelay $0x3  }
0x92: {  	_ =	strace s18  }
0x93: {  	s3 =	sld [smem:$0x3FFC];
	_ =	sdelay $0x3  }
0x94: {  	_ =	strace s3  }
0x95: {  	s3 =	sld [smem:$0x3FFD];
	_ =	sdelay $0x3  }
0x96: {  	_ =	strace s3  }
0x97: {  	_ =	strace $0x8FFFFFFF  }
0x98: {  	s19 =	sld [smem:$0x3FDB];
	_ =	sdelay $0x1  }
0x99: {  	s4 =	simm.s32 $_scs_section_size  }
0x9a: {  	s5 =	simm.s32 $_size__tile_overlayer_lowered;
	s6 =	simm.s32 $_tile_overlayer_lowered  }
0x9b: {  	s22 =	simm.s32 $0x1BFF;
	s21 =	sshll.u32 s6, $0x1;
	s3 =	sadd.s32 s4, s19  }
0x9c: {  	s7 =	simm.s32 $0x0;
	s20 =	sshll.u32 s5, $0x1;
	s5 =	sadd.s32 s21, s3  }
0x9d: {  	[timem:s7], [sflag:s22] =	dma.local [hbm:s5], s20  }
0x9e: {  	_ =	swait.ge [sflag:s22], s20  }
0x9f: {  	s4 =	ssub.s32 $0x0, s20;
	[sflag:s22] =	ssyncset.done $0x0  }
0xa0: {  	[sflag:s22] =	ssyncadd.s32 s4;
	_ =	sdelay $0x1  }
0xa1: {  	s23 =	simm.s32 $0x1B8B  }
0xa2: {  	_ =	swait.ge [sflag:s23], $0x1  }
0xa3: {  	[sflag:s23] =	ssyncset.done $0x0  }
0xa4: {  	s25 =	simm.s32 $0x1B8E;
	s24 =	sld [smem:$0x3FFE];
	[sflag:s23] =	ssyncadd.s32 $0xFFFFFFFF  }
0xa5: {  	s26 =	simm.s32 $execute0_lowered;
	[smem:$0x3FD2] =	sst s25  }
0xa6: {  	s5 =	sshll.u32 s26, $0x1;
	_ =	strace $0x80000046;
	[dreg:$0x1] =	wrdreg $0xFFFFFFFF  }
0xa7: {  	s28 =	simm.s32 $_size_execute0_lowered;
	s3 =	sadd.s32 s3, s5;
	[dreg:$0x0] =	wrdreg $0x0  }
0xa8: {  	s5 =	sshll.u32 s28, $0x1;
	[dreg:$0x2] =	wrdreg s3  }
0xa9: {  	[dreg:$0x3] =	wrdreg s5  }
0xaa: {  	[dreg:$0x4] =	wrdreg $0xC0  }
0xab: {  	_ =	task [dreg:s7], $0x5FFFF  }
0xac: {  	[dreg:$0x1] =	wrdreg $0xFFFFFFFF  }
0xad: {  	[dreg:$0x0] =	wrdreg $0x60  }
0xae: {  	[dreg:$0x2] =	wrdreg s24  }
0xaf: {  	[dreg:$0x3] =	wrdreg s2  }
0xb0: {  	[dreg:$0x4] =	wrdreg $0x9  }
0xb1: {  	_ =	task.clear_ibuf [dreg:s7], $0x5FFFF;
	_ =	strace $0x90000046  }
0xb2: {  	s29 =	simm.s32 $0x9;
	_ =	strace $0x80000048  }
0xb3: {  	_ =	swait.ge [sflag:s29], $0x1  }
0xb4: {  	[sflag:s29] =	ssyncadd.s32 $0xFFFFFFFF  }
0xb5: {  	_ =	strace $0x90000048  }
0xb6: {  	_ =	sfence  }
0xb7: {  	s30 =	sld [smem:$0x0];
	_ =	sdelay $0x2  }
0xb8: {  	s31 =	sshll.u32 s1, $0xD;
	s1 =	sshrl.u32 s1, $0x2  }
0xb9: {  	s3 =	sand.u32 $0x4000, s31;
	s1 =	sadd.s32 s1, s30  }
0xba: {  	s0 =	sor.u32 s3, s0;
	s1 =	sshll.u32 s1, $0x11  }
0xbb: {  	s0 =	sor.u32 s1, s0  }
0xbc: {  	s0 =	sadd.s32 $0x8F2B, s0  }
0xbd: {  	[sflag:s0] =	ssyncadd.remote.s32 $0x1  }
0xbe: {  	_ =	sfence.sel $0xFFFF  }
0xbf: {  	[dreg:$0x0] =	wrdreg $0xFFFFFFFF;
	(pc) =	sbr.abs _section_cstart, $3  }
0xc0: {  	[dreg:$0x1] =	wrdreg $0xFFFFFFFF  }
0xc1: {  	_ =	task.clear_ibuf [dreg:s7], $0x2FFFF;
	_ =	strace $0x9FFFFFFF  }
0xc2: {  	(tm) =	ssettm $0x7FFFFFFF  }
0xc3: {  	_ =	shalt  }
tec
execute0_lowered:
.L_overlay_start_1:
0x0: {  	(tag) =	ssettag $0x1  }
0x1: {  	s1 =	srdreg.scid;
	s4 =	rddreg [dreg:$0x0]  }
0x2: {  	s0 =	stileid.u32;
	s6 =	rddreg [dreg:$0x1]  }
0x3: {  	s2 =	simm.s32 $0x0;
	s10 =	simm.s32 $0x640;
	s11 =	simm.s32 $0x6A40  }
0x4: {  	s12 =	simm.s32 $0x1;
	s3 =	sand.u32 $0x1, s1;
	s30 =	sshll.u32 s0, $0x1  }
0x5: {  	s13 =	simm.s32 $0x2;
	s14 =	simm.s32 $0xCE40;
	s5 =	sor.u32 s3, s30  }
0x6: {  	s15 =	simm.s32 $0x0;
	[smem:$0x7FF] =	sst s2;
	s7 =	smul.u32 $0x640, s5  }
0x7: {  	s1 =	rddreg [dreg:$0x2];
	s8 =	ssub.s32 $0x2, s3;
	_ =	strace $0x80000047  }
0x8: {  	s3 =	sadd.s32 $0x2400, s4;
	s9 =	sshrl.u32 s8, $0x1;
	s7 =	sshrl.u32 s7, $0x3  }
0x9: {  	s31 =	sshll.u32 s5, $0x7;
	s8 =	ssub.s32 s8, s9;
	s7 =	sadd.s32 s7, s4  }
0xa: {  	s6 =	sadd.s32 s6, s31;
	s9 =	simm.s32 $0x320;
	s4 =	sadd.s32 $0xA00, s7  }
0xb: {  	s5 =	sadd.s32 $0xA64, s7;
	s7 =	smax.u32 s8, $0x1;
	s8 =	simm.s32 $0x3  }
.LBB2_1:
0xc: {  	[tilespmem:s2], [sflag:$0x3] =	stream.linear.gather [hbm4b:s4+s2], $0x320, $0x38;
	[tilespmem:$0xD240] =	vst v63  }
0xd: {  	_ =	swait.ge [sflag:s8], $0x320  }
0xe: {  	[sflag:s8] =	ssyncset.done $0x0  }
0xf: {  	[sflag:s8] =	ssyncadd.s32 $0xFFFFFCE0  }
0x10: {  	[tilespmem:s10], [sflag:$0x1] =	stream.indirect.gather [hbm4b:s3+s9], $0x20, s2, s9, $0xb8;
	[tilespmem:$0xD240] =	vst v63  }
0x11: {  	_ = 	snop  }
0x12: {  	[tilespmem:s9], [sflag:$0x3] =	stream.linear.gather [hbm4b:s5+s2], $0x320, $0x38;
	[tilespmem:$0xD240] =	vst v63  }
0x13: {  	_ =	swait.ge [sflag:s8], $0x320  }
0x14: {  	[sflag:s8] =	ssyncset.done $0x0  }
0x15: {  	[sflag:s8] =	ssyncadd.s32 $0xFFFFFCE0  }
0x16: {  	[tilespmem:s11], [sflag:$0x2] =	stream.indirect.gather [hbm4b:s3+s9], $0x20, s9, s9, $0xb8;
	[tilespmem:$0xD240] =	vst v63  }
0x17: {  	_ =	swait.ge [sflag:s12], $0x6400  }
0x18: {  	[sflag:s12] =	ssyncset.done $0x0  }
0x19: {  	s16 =	simm.s32 $0x960;
	[sflag:s12] =	ssyncadd.s32 $0xFFFF9C00  }
0x1a: {  	v0 =	vld [tilespmem:s16+$0xFFFFFCE0]  }
0x1b: {  	v1 =	vld [tilespmem:s16+$0xFFFFFCF0]  }
0x1c: {  	v2 =	vld [tilespmem:s16+$0xFFFFFD00]  }
0x1d: {  	v3 =	vld [tilespmem:s16+$0xFFFFFD10]  }
0x1e: {  	v4 =	vld [tilespmem:s16+$0xFFFFFD20]  }
0x1f: {  	v5 =	vld [tilespmem:s16+$0xFFFFFD30];
	v0 =	vadd.f32 $0.0e+00, v0  }
0x20: {  	v6 =	vld [tilespmem:s16+$0xFFFFFD40]  }
0x21: {  	v7 =	vld [tilespmem:s16+$0xFFFFFD60];
	v1 =	vadd.f32 $0.0e+00, v1;
	v0 =	vadd.f32 v2, v0  }
0x22: {  	v2 =	vld [tilespmem:s16+$0xFFFFFD50]  }
0x23: {  	v59 =	vld [tilespmem:s16+$0xFFFFFD80];
	v1 =	vadd.f32 v3, v1;
	v0 =	vadd.f32 v4, v0  }
0x24: {  	v3 =	vld [tilespmem:s16+$0xFFFFFD70]  }
0x25: {  	v60 =	vld [tilespmem:s16+$0xFFFFFD90];
	v1 =	vadd.f32 v5, v1;
	v0 =	vadd.f32 v6, v0  }
0x26: {  	v61 =	vld [tilespmem:s16+$0xFFFFFDA0]  }
0x27: {  	v62 =	vld [tilespmem:s16+$0xFFFFFDC0];
	v1 =	vadd.f32 v2, v1;
	v0 =	vadd.f32 v7, v0  }
0x28: {  	v2 =	vld [tilespmem:s16+$0xFFFFFDB0]  }
0x29: {  	v63 =	vld [tilespmem:s16+$0xFFFFFDE0];
	v1 =	vadd.f32 v3, v1;
	v0 =	vadd.f32 v59, v0  }
0x2a: {  	v3 =	vld [tilespmem:s16+$0xFFFFFDD0]  }
0x2b: {  	v9 =	vld [tilespmem:s16+$0xFFFFFDF0];
	v1 =	vadd.f32 v60, v1;
	v0 =	vadd.f32 v61, v0  }
0x2c: {  	v10 =	vld [tilespmem:s16+$0xFFFFFE00]  }
0x2d: {  	v11 =	vld [tilespmem:s16+$0xFFFFFE20];
	v1 =	vadd.f32 v2, v1;
	v0 =	vadd.f32 v62, v0  }
0x2e: {  	v2 =	vld [tilespmem:s16+$0xFFFFFE10]  }
0x2f: {  	v12 =	vld [tilespmem:s16+$0xFFFFFE40];
	v1 =	vadd.f32 v3, v1;
	v0 =	vadd.f32 v63, v0  }
0x30: {  	v3 =	vld [tilespmem:s16+$0xFFFFFE30]  }
0x31: {  	v13 =	vld [tilespmem:s16+$0xFFFFFE50];
	v1 =	vadd.f32 v9, v1;
	v0 =	vadd.f32 v10, v0  }
0x32: {  	v14 =	vld [tilespmem:s16+$0xFFFFFE60]  }
0x33: {  	v15 =	vld [tilespmem:s16+$0xFFFFFE80];
	v1 =	vadd.f32 v2, v1;
	v0 =	vadd.f32 v11, v0  }
0x34: {  	v2 =	vld [tilespmem:s16+$0xFFFFFE70]  }
0x35: {  	v16 =	vld [tilespmem:s16+$0xFFFFFEA0];
	v1 =	vadd.f32 v3, v1;
	v0 =	vadd.f32 v12, v0  }
0x36: {  	v3 =	vld [tilespmem:s16+$0xFFFFFE90]  }
0x37: {  	v17 =	vld [tilespmem:s16+$0xFFFFFEB0];
	v1 =	vadd.f32 v13, v1;
	v0 =	vadd.f32 v14, v0  }
0x38: {  	v18 =	vld [tilespmem:s16+$0xFFFFFEC0]  }
0x39: {  	v19 =	vld [tilespmem:s16+$0xFFFFFEE0];
	v1 =	vadd.f32 v2, v1;
	v0 =	vadd.f32 v15, v0  }
0x3a: {  	v2 =	vld [tilespmem:s16+$0xFFFFFED0]  }
0x3b: {  	v20 =	vld [tilespmem:s16+$0xFFFFFF00];
	v1 =	vadd.f32 v3, v1;
	v0 =	vadd.f32 v16, v0  }
0x3c: {  	v3 =	vld [tilespmem:s16+$0xFFFFFEF0]  }
0x3d: {  	v21 =	vld [tilespmem:s16+$0xFFFFFF10];
	v1 =	vadd.f32 v17, v1;
	v0 =	vadd.f32 v18, v0  }
0x3e: {  	v22 =	vld [tilespmem:s16+$0xFFFFFF20]  }
0x3f: {  	v23 =	vld [tilespmem:s16+$0xFFFFFF40];
	v1 =	vadd.f32 v2, v1;
	v0 =	vadd.f32 v19, v0  }
0x40: {  	v2 =	vld [tilespmem:s16+$0xFFFFFF30]  }
0x41: {  	v24 =	vld [tilespmem:s16+$0xFFFFFF60];
	v1 =	vadd.f32 v3, v1;
	v0 =	vadd.f32 v20, v0  }
0x42: {  	v3 =	vld [tilespmem:s16+$0xFFFFFF50]  }
0x43: {  	v25 =	vld [tilespmem:s16+$0xFFFFFF70];
	v1 =	vadd.f32 v21, v1;
	v0 =	vadd.f32 v22, v0  }
0x44: {  	v26 =	vld [tilespmem:s16+$0xFFFFFF80]  }
0x45: {  	v27 =	vld [tilespmem:s16+$0xFFFFFFA0];
	v1 =	vadd.f32 v2, v1;
	v0 =	vadd.f32 v23, v0  }
0x46: {  	v2 =	vld [tilespmem:s16+$0xFFFFFF90]  }
0x47: {  	v28 =	vld [tilespmem:s16+$0xFFFFFFC0];
	v1 =	vadd.f32 v3, v1;
	v0 =	vadd.f32 v24, v0  }
0x48: {  	v3 =	vld [tilespmem:s16+$0xFFFFFFB0]  }
0x49: {  	v29 =	vld [tilespmem:s16+$0xFFFFFFD0];
	v1 =	vadd.f32 v25, v1;
	v0 =	vadd.f32 v26, v0  }
0x4a: {  	v30 =	vld [tilespmem:s16+$0xFFFFFFE0]  }
0x4b: {  	v31 =	vld [tilespmem:s16+$0x0];
	v1 =	vadd.f32 v2, v1;
	v0 =	vadd.f32 v27, v0  }
0x4c: {  	v2 =	vld [tilespmem:s16+$0xFFFFFFF0]  }
0x4d: {  	v32 =	vld [tilespmem:s16+$0x20];
	v1 =	vadd.f32 v3, v1;
	v0 =	vadd.f32 v28, v0  }
0x4e: {  	v3 =	vld [tilespmem:s16+$0x10]  }
0x4f: {  	v33 =	vld [tilespmem:s16+$0x30];
	v1 =	vadd.f32 v29, v1;
	v0 =	vadd.f32 v30, v0  }
0x50: {  	v34 =	vld [tilespmem:s16+$0x40]  }
0x51: {  	v35 =	vld [tilespmem:s16+$0x60];
	v1 =	vadd.f32 v2, v1;
	v0 =	vadd.f32 v31, v0  }
0x52: {  	v2 =	vld [tilespmem:s16+$0x50]  }
0x53: {  	v36 =	vld [tilespmem:s16+$0x80];
	v1 =	vadd.f32 v3, v1;
	v0 =	vadd.f32 v32, v0  }
0x54: {  	v3 =	vld [tilespmem:s16+$0x70]  }
0x55: {  	v37 =	vld [tilespmem:s16+$0x90];
	v1 =	vadd.f32 v33, v1;
	v0 =	vadd.f32 v34, v0  }
0x56: {  	v38 =	vld [tilespmem:s16+$0xA0]  }
0x57: {  	v39 =	vld [tilespmem:s16+$0xC0];
	v1 =	vadd.f32 v2, v1;
	v0 =	vadd.f32 v35, v0  }
0x58: {  	v2 =	vld [tilespmem:s16+$0xB0]  }
0x59: {  	v40 =	vld [tilespmem:s16+$0xE0];
	v1 =	vadd.f32 v3, v1;
	v0 =	vadd.f32 v36, v0  }
0x5a: {  	v3 =	vld [tilespmem:s16+$0xD0]  }
0x5b: {  	v41 =	vld [tilespmem:s16+$0xF0];
	v1 =	vadd.f32 v37, v1;
	v0 =	vadd.f32 v38, v0  }
0x5c: {  	v42 =	vld [tilespmem:s16+$0x100]  }
0x5d: {  	v43 =	vld [tilespmem:s16+$0x120];
	v1 =	vadd.f32 v2, v1;
	v0 =	vadd.f32 v39, v0  }
0x5e: {  	v2 =	vld [tilespmem:s16+$0x110]  }
0x5f: {  	v44 =	vld [tilespmem:s16+$0x140];
	v1 =	vadd.f32 v3, v1;
	v0 =	vadd.f32 v40, v0  }
0x60: {  	v3 =	vld [tilespmem:s16+$0x130]  }
0x61: {  	v45 =	vld [tilespmem:s16+$0x150];
	v1 =	vadd.f32 v41, v1;
	v0 =	vadd.f32 v42, v0  }
0x62: {  	v46 =	vld [tilespmem:s16+$0x160]  }
0x63: {  	v47 =	vld [tilespmem:s16+$0x180];
	v1 =	vadd.f32 v2, v1;
	v0 =	vadd.f32 v43, v0  }
0x64: {  	v2 =	vld [tilespmem:s16+$0x170]  }
0x65: {  	v48 =	vld [tilespmem:s16+$0x1A0];
	v1 =	vadd.f32 v3, v1;
	v0 =	vadd.f32 v44, v0  }
0x66: {  	v3 =	vld [tilespmem:s16+$0x190]  }
0x67: {  	v49 =	vld [tilespmem:s16+$0x1B0];
	v1 =	vadd.f32 v45, v1;
	v0 =	vadd.f32 v46, v0  }
0x68: {  	v50 =	vld [tilespmem:s16+$0x1C0]  }
0x69: {  	v51 =	vld [tilespmem:s16+$0x1E0];
	v1 =	vadd.f32 v2, v1;
	v0 =	vadd.f32 v47, v0  }
0x6a: {  	v2 =	vld [tilespmem:s16+$0x1D0]  }
0x6b: {  	v52 =	vld [tilespmem:s16+$0x200];
	v1 =	vadd.f32 v3, v1;
	v0 =	vadd.f32 v48, v0  }
0x6c: {  	v3 =	vld [tilespmem:s16+$0x1F0]  }
0x6d: {  	v53 =	vld [tilespmem:s16+$0x210];
	v1 =	vadd.f32 v49, v1;
	v0 =	vadd.f32 v50, v0  }
0x6e: {  	v54 =	vld [tilespmem:s16+$0x220]  }
0x6f: {  	v55 =	vld [tilespmem:s16+$0x240];
	v1 =	vadd.f32 v2, v1;
	v0 =	vadd.f32 v51, v0  }
0x70: {  	v2 =	vld [tilespmem:s16+$0x230]  }
0x71: {  	v56 =	vld [tilespmem:s16+$0x260];
	v1 =	vadd.f32 v3, v1;
	v0 =	vadd.f32 v52, v0  }
0x72: {  	v3 =	vld [tilespmem:s16+$0x250]  }
0x73: {  	v57 =	vld [tilespmem:s16+$0x270];
	v1 =	vadd.f32 v53, v1;
	v0 =	vadd.f32 v54, v0  }
0x74: {  	v58 =	vld [tilespmem:s16+$0x280]  }
0x75: {  	v59 =	vld [tilespmem:s16+$0x2A0];
	v1 =	vadd.f32 v2, v1;
	v0 =	vadd.f32 v55, v0  }
0x76: {  	v2 =	vld [tilespmem:s16+$0x290]  }
0x77: {  	v60 =	vld [tilespmem:s16+$0x2C0];
	v1 =	vadd.f32 v3, v1;
	v0 =	vadd.f32 v56, v0  }
0x78: {  	v3 =	vld [tilespmem:s16+$0x2B0]  }
0x79: {  	v61 =	vld [tilespmem:s16+$0x2D0];
	v1 =	vadd.f32 v57, v1;
	v0 =	vadd.f32 v58, v0  }
0x7a: {  	v62 =	vld [tilespmem:s16+$0x2E0]  }
0x7b: {  	v63 =	vld [tilespmem:s16+$0x300];
	v1 =	vadd.f32 v2, v1;
	v0 =	vadd.f32 v59, v0  }
0x7c: {  	v2 =	vld [tilespmem:s16+$0x2F0]  }
0x7d: {  	v1 =	vadd.f32 v3, v1;
	v0 =	vadd.f32 v60, v0  }
0x7e: {  	v3 =	vld [tilespmem:s16+$0x310]  }
0x7f: {  	v1 =	vadd.f32 v61, v1;
	v0 =	vadd.f32 v62, v0;
	_ =	sdelay $0x1  }
0x80: {  	v1 =	vadd.f32 v2, v1;
	v2 =	vadd.f32 v63, v0  }
0x81: {  	s18 =	simm.s32 $0x0  }
0x82: {  	s17 =	simm.s32 $0x80;
	v0 =	vadd.f32 v3, v1;
	[tilespmem:s18+$0xCE40] =	vst v2  }
.LBB2_2:
0x83: {  	p0 =	sne.s32 s17, $0x780  }
0x84: {  	[tilespmem:s18+$0xCE50] =	vst v0;
	s16 =	sadd.s32 $0x640, s16;
	s18 =	smov.u32 s17;
	s17 =	sadd.s32 $0x80, s17  }
0x85: {  	v0 =	vld [tilespmem:s16+$0xFFFFFCE0]  }
0x86: {  	v1 =	vld [tilespmem:s16+$0xFFFFFCF0]  }
0x87: {  	v2 =	vld [tilespmem:s16+$0xFFFFFD00]  }
0x88: {  	v3 =	vld [tilespmem:s16+$0xFFFFFD10]  }
0x89: {  	v4 =	vld [tilespmem:s16+$0xFFFFFD20]  }
0x8a: {  	v0 =	vadd.f32 $0.0e+00, v0;
	v5 =	vld [tilespmem:s16+$0xFFFFFD30]  }
0x8b: {  	v1 =	vadd.f32 $0.0e+00, v1;
	v6 =	vld [tilespmem:s16+$0xFFFFFD40]  }
0x8c: {  	v0 =	vadd.f32 v2, v0;
	v2 =	vld [tilespmem:s16+$0xFFFFFD50]  }
0x8d: {  	v1 =	vadd.f32 v3, v1;
	v3 =	vld [tilespmem:s16+$0xFFFFFD60]  }
0x8e: {  	v0 =	vadd.f32 v4, v0;
	v4 =	vld [tilespmem:s16+$0xFFFFFD70]  }
0x8f: {  	v1 =	vadd.f32 v5, v1;
	v5 =	vld [tilespmem:s16+$0xFFFFFD80]  }
0x90: {  	v0 =	vadd.f32 v6, v0;
	v6 =	vld [tilespmem:s16+$0xFFFFFD90]  }
0x91: {  	v1 =	vadd.f32 v2, v1;
	v2 =	vld [tilespmem:s16+$0xFFFFFDA0]  }
0x92: {  	v0 =	vadd.f32 v3, v0;
	v3 =	vld [tilespmem:s16+$0xFFFFFDB0]  }
0x93: {  	v1 =	vadd.f32 v4, v1;
	v4 =	vld [tilespmem:s16+$0xFFFFFDC0]  }
0x94: {  	v0 =	vadd.f32 v5, v0;
	v5 =	vld [tilespmem:s16+$0xFFFFFDD0]  }
0x95: {  	v1 =	vadd.f32 v6, v1;
	v6 =	vld [tilespmem:s16+$0xFFFFFDE0]  }
0x96: {  	v0 =	vadd.f32 v2, v0;
	v2 =	vld [tilespmem:s16+$0xFFFFFDF0]  }
0x97: {  	v1 =	vadd.f32 v3, v1;
	v3 =	vld [tilespmem:s16+$0xFFFFFE00]  }
0x98: {  	v0 =	vadd.f32 v4, v0;
	v4 =	vld [tilespmem:s16+$0xFFFFFE10]  }
0x99: {  	v1 =	vadd.f32 v5, v1;
	v5 =	vld [tilespmem:s16+$0xFFFFFE20]  }
0x9a: {  	v0 =	vadd.f32 v6, v0;
	v6 =	vld [tilespmem:s16+$0xFFFFFE30]  }
0x9b: {  	v1 =	vadd.f32 v2, v1;
	v2 =	vld [tilespmem:s16+$0xFFFFFE40]  }
0x9c: {  	v0 =	vadd.f32 v3, v0;
	v3 =	vld [tilespmem:s16+$0xFFFFFE50]  }
0x9d: {  	v1 =	vadd.f32 v4, v1;
	v4 =	vld [tilespmem:s16+$0xFFFFFE60]  }
0x9e: {  	v0 =	vadd.f32 v5, v0;
	v5 =	vld [tilespmem:s16+$0xFFFFFE70]  }
0x9f: {  	v1 =	vadd.f32 v6, v1;
	v6 =	vld [tilespmem:s16+$0xFFFFFE80]  }
0xa0: {  	v0 =	vadd.f32 v2, v0;
	v2 =	vld [tilespmem:s16+$0xFFFFFE90]  }
0xa1: {  	v1 =	vadd.f32 v3, v1;
	v3 =	vld [tilespmem:s16+$0xFFFFFEA0]  }
0xa2: {  	v0 =	vadd.f32 v4, v0;
	v4 =	vld [tilespmem:s16+$0xFFFFFEB0]  }
0xa3: {  	v1 =	vadd.f32 v5, v1;
	v5 =	vld [tilespmem:s16+$0xFFFFFEC0]  }
0xa4: {  	v0 =	vadd.f32 v6, v0;
	v6 =	vld [tilespmem:s16+$0xFFFFFED0]  }
0xa5: {  	v1 =	vadd.f32 v2, v1;
	v2 =	vld [tilespmem:s16+$0xFFFFFEE0]  }
0xa6: {  	v0 =	vadd.f32 v3, v0;
	v3 =	vld [tilespmem:s16+$0xFFFFFEF0]  }
0xa7: {  	v1 =	vadd.f32 v4, v1;
	v4 =	vld [tilespmem:s16+$0xFFFFFF00]  }
0xa8: {  	v0 =	vadd.f32 v5, v0;
	v5 =	vld [tilespmem:s16+$0xFFFFFF10]  }
0xa9: {  	v1 =	vadd.f32 v6, v1;
	v6 =	vld [tilespmem:s16+$0xFFFFFF20]  }
0xaa: {  	v0 =	vadd.f32 v2, v0;
	v2 =	vld [tilespmem:s16+$0xFFFFFF30]  }
0xab: {  	v1 =	vadd.f32 v3, v1;
	v3 =	vld [tilespmem:s16+$0xFFFFFF40]  }
0xac: {  	v0 =	vadd.f32 v4, v0;
	v4 =	vld [tilespmem:s16+$0xFFFFFF50]  }
0xad: {  	v1 =	vadd.f32 v5, v1;
	v5 =	vld [tilespmem:s16+$0xFFFFFF60]  }
0xae: {  	v0 =	vadd.f32 v6, v0;
	v6 =	vld [tilespmem:s16+$0xFFFFFF70]  }
0xaf: {  	v1 =	vadd.f32 v2, v1;
	v2 =	vld [tilespmem:s16+$0xFFFFFF80]  }
0xb0: {  	v0 =	vadd.f32 v3, v0;
	v3 =	vld [tilespmem:s16+$0xFFFFFF90]  }
0xb1: {  	v1 =	vadd.f32 v4, v1;
	v4 =	vld [tilespmem:s16+$0xFFFFFFA0]  }
0xb2: {  	v0 =	vadd.f32 v5, v0;
	v5 =	vld [tilespmem:s16+$0xFFFFFFB0]  }
0xb3: {  	v1 =	vadd.f32 v6, v1;
	v6 =	vld [tilespmem:s16+$0xFFFFFFC0]  }
0xb4: {  	v0 =	vadd.f32 v2, v0;
	v2 =	vld [tilespmem:s16+$0xFFFFFFD0]  }
0xb5: {  	v1 =	vadd.f32 v3, v1;
	v3 =	vld [tilespmem:s16+$0xFFFFFFE0]  }
0xb6: {  	v0 =	vadd.f32 v4, v0;
	v4 =	vld [tilespmem:s16+$0xFFFFFFF0]  }
0xb7: {  	v1 =	vadd.f32 v5, v1;
	v5 =	vld [tilespmem:s16+$0x0]  }
0xb8: {  	v0 =	vadd.f32 v6, v0;
	v6 =	vld [tilespmem:s16+$0x10]  }
0xb9: {  	v1 =	vadd.f32 v2, v1;
	v2 =	vld [tilespmem:s16+$0x20]  }
0xba: {  	v0 =	vadd.f32 v3, v0;
	v3 =	vld [tilespmem:s16+$0x30]  }
0xbb: {  	v1 =	vadd.f32 v4, v1;
	v4 =	vld [tilespmem:s16+$0x40]  }
0xbc: {  	v0 =	vadd.f32 v5, v0;
	v5 =	vld [tilespmem:s16+$0x50]  }
0xbd: {  	v1 =	vadd.f32 v6, v1;
	v6 =	vld [tilespmem:s16+$0x60]  }
0xbe: {  	v0 =	vadd.f32 v2, v0;
	v2 =	vld [tilespmem:s16+$0x70]  }
0xbf: {  	v1 =	vadd.f32 v3, v1;
	v3 =	vld [tilespmem:s16+$0x80]  }
0xc0: {  	v0 =	vadd.f32 v4, v0;
	v4 =	vld [tilespmem:s16+$0x90]  }
0xc1: {  	v1 =	vadd.f32 v5, v1;
	v5 =	vld [tilespmem:s16+$0xA0]  }
0xc2: {  	v0 =	vadd.f32 v6, v0;
	v6 =	vld [tilespmem:s16+$0xB0]  }
0xc3: {  	v1 =	vadd.f32 v2, v1;
	v2 =	vld [tilespmem:s16+$0xC0]  }
0xc4: {  	v0 =	vadd.f32 v3, v0;
	v3 =	vld [tilespmem:s16+$0xD0]  }
0xc5: {  	v1 =	vadd.f32 v4, v1;
	v4 =	vld [tilespmem:s16+$0xE0]  }
0xc6: {  	v0 =	vadd.f32 v5, v0;
	v5 =	vld [tilespmem:s16+$0xF0]  }
0xc7: {  	v1 =	vadd.f32 v6, v1;
	v6 =	vld [tilespmem:s16+$0x100]  }
0xc8: {  	v0 =	vadd.f32 v2, v0;
	v2 =	vld [tilespmem:s16+$0x110]  }
0xc9: {  	v1 =	vadd.f32 v3, v1;
	v3 =	vld [tilespmem:s16+$0x120]  }
0xca: {  	v0 =	vadd.f32 v4, v0;
	v4 =	vld [tilespmem:s16+$0x130]  }
0xcb: {  	v1 =	vadd.f32 v5, v1;
	v5 =	vld [tilespmem:s16+$0x140]  }
0xcc: {  	v0 =	vadd.f32 v6, v0;
	v6 =	vld [tilespmem:s16+$0x150]  }
0xcd: {  	v1 =	vadd.f32 v2, v1;
	v2 =	vld [tilespmem:s16+$0x160]  }
0xce: {  	v0 =	vadd.f32 v3, v0;
	v3 =	vld [tilespmem:s16+$0x170]  }
0xcf: {  	v1 =	vadd.f32 v4, v1;
	v4 =	vld [tilespmem:s16+$0x180]  }
0xd0: {  	v0 =	vadd.f32 v5, v0;
	v5 =	vld [tilespmem:s16+$0x190]  }
0xd1: {  	v1 =	vadd.f32 v6, v1;
	v6 =	vld [tilespmem:s16+$0x1A0]  }
0xd2: {  	v0 =	vadd.f32 v2, v0;
	v2 =	vld [tilespmem:s16+$0x1B0]  }
0xd3: {  	v1 =	vadd.f32 v3, v1;
	v3 =	vld [tilespmem:s16+$0x1C0]  }
0xd4: {  	v0 =	vadd.f32 v4, v0;
	v4 =	vld [tilespmem:s16+$0x1D0]  }
0xd5: {  	v1 =	vadd.f32 v5, v1;
	v5 =	vld [tilespmem:s16+$0x1E0]  }
0xd6: {  	v0 =	vadd.f32 v6, v0;
	v6 =	vld [tilespmem:s16+$0x1F0]  }
0xd7: {  	v1 =	vadd.f32 v2, v1;
	v2 =	vld [tilespmem:s16+$0x200]  }
0xd8: {  	v0 =	vadd.f32 v3, v0;
	v3 =	vld [tilespmem:s16+$0x210]  }
0xd9: {  	v1 =	vadd.f32 v4, v1;
	v4 =	vld [tilespmem:s16+$0x220]  }
0xda: {  	v0 =	vadd.f32 v5, v0;
	v5 =	vld [tilespmem:s16+$0x230]  }
0xdb: {  	v1 =	vadd.f32 v6, v1;
	v6 =	vld [tilespmem:s16+$0x240]  }
0xdc: {  	v0 =	vadd.f32 v2, v0;
	v2 =	vld [tilespmem:s16+$0x250]  }
0xdd: {  	v1 =	vadd.f32 v3, v1;
	v3 =	vld [tilespmem:s16+$0x260]  }
0xde: {  	v0 =	vadd.f32 v4, v0;
	v4 =	vld [tilespmem:s16+$0x270]  }
0xdf: {  	v1 =	vadd.f32 v5, v1;
	v5 =	vld [tilespmem:s16+$0x280]  }
0xe0: {  	v0 =	vadd.f32 v6, v0;
	v6 =	vld [tilespmem:s16+$0x290]  }
0xe1: {  	v1 =	vadd.f32 v2, v1;
	v2 =	vld [tilespmem:s16+$0x2A0]  }
0xe2: {  	v0 =	vadd.f32 v3, v0;
	v3 =	vld [tilespmem:s16+$0x2B0]  }
0xe3: {  	v1 =	vadd.f32 v4, v1;
	v4 =	vld [tilespmem:s16+$0x2C0]  }
0xe4: {  	v0 =	vadd.f32 v5, v0;
	v5 =	vld [tilespmem:s16+$0x2D0]  }
0xe5: {  	v1 =	vadd.f32 v6, v1;
	v6 =	vld [tilespmem:s16+$0x2E0]  }
0xe6: {  	v0 =	vadd.f32 v2, v0;
	v2 =	vld [tilespmem:s16+$0x2F0]  }
0xe7: {  	v1 =	vadd.f32 v3, v1;
	v3 =	vld [tilespmem:s16+$0x300]  }
0xe8: {  	v0 =	vadd.f32 v4, v0;
	v4 =	vld [tilespmem:s16+$0x310]  }
0xe9: {  	v1 =	vadd.f32 v5, v1  }
.Ltmp0:
0xea: {  	v0 =	vadd.f32 v6, v0;
	(pc) =	sbr.rel @p0 .LBB2_2-.Ltmp0, $4  }
0xeb: {  	v1 =	vadd.f32 v2, v1  }
0xec: {  	v2 =	vadd.f32 v3, v0  }
0xed: {  	s18 =	sshra.s32 s18, $0x2;
	v0 =	vadd.f32 v4, v1  }
0xee: {  	[tilespmem:s18+$0xCE40] =	vst v2  }
0xef: {  	[tilespmem:s18+$0xCE50] =	vst v0  }
0xf0: {  	_ =	swait.ge [sflag:s13], $0x6400  }
0xf1: {  	[sflag:s13] =	ssyncset.done $0x0  }
0xf2: {  	s16 =	simm.s32 $0x6D60;
	[sflag:s13] =	ssyncadd.s32 $0xFFFF9C00  }
0xf3: {  	v0 =	vld [tilespmem:s16+$0xFFFFFCE0]  }
0xf4: {  	v1 =	vld [tilespmem:s16+$0xFFFFFCF0]  }
0xf5: {  	v2 =	vld [tilespmem:s16+$0xFFFFFD00]  }
0xf6: {  	v3 =	vld [tilespmem:s16+$0xFFFFFD10]  }
0xf7: {  	v4 =	vld [tilespmem:s16+$0xFFFFFD20]  }
0xf8: {  	v5 =	vld [tilespmem:s16+$0xFFFFFD30];
	v0 =	vadd.f32 $0.0e+00, v0  }
0xf9: {  	v6 =	vld [tilespmem:s16+$0xFFFFFD40]  }
0xfa: {  	v7 =	vld [tilespmem:s16+$0xFFFFFD60];
	v1 =	vadd.f32 $0.0e+00, v1;
	v0 =	vadd.f32 v2, v0  }
0xfb: {  	v2 =	vld [tilespmem:s16+$0xFFFFFD50]  }
0xfc: {  	v59 =	vld [tilespmem:s16+$0xFFFFFD80];
	v1 =	vadd.f32 v3, v1;
	v0 =	vadd.f32 v4, v0  }
0xfd: {  	v3 =	vld [tilespmem:s16+$0xFFFFFD70]  }
0xfe: {  	v60 =	vld [tilespmem:s16+$0xFFFFFD90];
	v1 =	vadd.f32 v5, v1;
	v0 =	vadd.f32 v6, v0  }
0xff: {  	v61 =	vld [tilespmem:s16+$0xFFFFFDA0]  }
0x100: {  	v62 =	vld [tilespmem:s16+$0xFFFFFDC0];
	v1 =	vadd.f32 v2, v1;
	v0 =	vadd.f32 v7, v0  }
0x101: {  	v2 =	vld [tilespmem:s16+$0xFFFFFDB0]  }
0x102: {  	v63 =	vld [tilespmem:s16+$0xFFFFFDE0];
	v1 =	vadd.f32 v3, v1;
	v0 =	vadd.f32 v59, v0  }
0x103: {  	v3 =	vld [tilespmem:s16+$0xFFFFFDD0]  }
0x104: {  	v9 =	vld [tilespmem:s16+$0xFFFFFDF0];
	v1 =	vadd.f32 v60, v1;
	v0 =	vadd.f32 v61, v0  }
0x105: {  	v10 =	vld [tilespmem:s16+$0xFFFFFE00]  }
0x106: {  	v11 =	vld [tilespmem:s16+$0xFFFFFE20];
	v1 =	vadd.f32 v2, v1;
	v0 =	vadd.f32 v62, v0  }
0x107: {  	v2 =	vld [tilespmem:s16+$0xFFFFFE10]  }
0x108: {  	v12 =	vld [tilespmem:s16+$0xFFFFFE40];
	v1 =	vadd.f32 v3, v1;
	v0 =	vadd.f32 v63, v0  }
0x109: {  	v3 =	vld [tilespmem:s16+$0xFFFFFE30]  }
0x10a: {  	v13 =	vld [tilespmem:s16+$0xFFFFFE50];
	v1 =	vadd.f32 v9, v1;
	v0 =	vadd.f32 v10, v0  }
0x10b: {  	v14 =	vld [tilespmem:s16+$0xFFFFFE60]  }
0x10c: {  	v15 =	vld [tilespmem:s16+$0xFFFFFE80];
	v1 =	vadd.f32 v2, v1;
	v0 =	vadd.f32 v11, v0  }
0x10d: {  	v2 =	vld [tilespmem:s16+$0xFFFFFE70]  }
0x10e: {  	v16 =	vld [tilespmem:s16+$0xFFFFFEA0];
	v1 =	vadd.f32 v3, v1;
	v0 =	vadd.f32 v12, v0  }
0x10f: {  	v3 =	vld [tilespmem:s16+$0xFFFFFE90]  }
0x110: {  	v17 =	vld [tilespmem:s16+$0xFFFFFEB0];
	v1 =	vadd.f32 v13, v1;
	v0 =	vadd.f32 v14, v0  }
0x111: {  	v18 =	vld [tilespmem:s16+$0xFFFFFEC0]  }
0x112: {  	v19 =	vld [tilespmem:s16+$0xFFFFFEE0];
	v1 =	vadd.f32 v2, v1;
	v0 =	vadd.f32 v15, v0  }
0x113: {  	v2 =	vld [tilespmem:s16+$0xFFFFFED0]  }
0x114: {  	v20 =	vld [tilespmem:s16+$0xFFFFFF00];
	v1 =	vadd.f32 v3, v1;
	v0 =	vadd.f32 v16, v0  }
0x115: {  	v3 =	vld [tilespmem:s16+$0xFFFFFEF0]  }
0x116: {  	v21 =	vld [tilespmem:s16+$0xFFFFFF10];
	v1 =	vadd.f32 v17, v1;
	v0 =	vadd.f32 v18, v0  }
0x117: {  	v22 =	vld [tilespmem:s16+$0xFFFFFF20]  }
0x118: {  	v23 =	vld [tilespmem:s16+$0xFFFFFF40];
	v1 =	vadd.f32 v2, v1;
	v0 =	vadd.f32 v19, v0  }
0x119: {  	v2 =	vld [tilespmem:s16+$0xFFFFFF30]  }
0x11a: {  	v24 =	vld [tilespmem:s16+$0xFFFFFF60];
	v1 =	vadd.f32 v3, v1;
	v0 =	vadd.f32 v20, v0  }
0x11b: {  	v3 =	vld [tilespmem:s16+$0xFFFFFF50]  }
0x11c: {  	v25 =	vld [tilespmem:s16+$0xFFFFFF70];
	v1 =	vadd.f32 v21, v1;
	v0 =	vadd.f32 v22, v0  }
0x11d: {  	v26 =	vld [tilespmem:s16+$0xFFFFFF80]  }
0x11e: {  	v27 =	vld [tilespmem:s16+$0xFFFFFFA0];
	v1 =	vadd.f32 v2, v1;
	v0 =	vadd.f32 v23, v0  }
0x11f: {  	v2 =	vld [tilespmem:s16+$0xFFFFFF90]  }
0x120: {  	v28 =	vld [tilespmem:s16+$0xFFFFFFC0];
	v1 =	vadd.f32 v3, v1;
	v0 =	vadd.f32 v24, v0  }
0x121: {  	v3 =	vld [tilespmem:s16+$0xFFFFFFB0]  }
0x122: {  	v29 =	vld [tilespmem:s16+$0xFFFFFFD0];
	v1 =	vadd.f32 v25, v1;
	v0 =	vadd.f32 v26, v0  }
0x123: {  	v30 =	vld [tilespmem:s16+$0xFFFFFFE0]  }
0x124: {  	v31 =	vld [tilespmem:s16+$0x0];
	v1 =	vadd.f32 v2, v1;
	v0 =	vadd.f32 v27, v0  }
0x125: {  	v2 =	vld [tilespmem:s16+$0xFFFFFFF0]  }
0x126: {  	v32 =	vld [tilespmem:s16+$0x20];
	v1 =	vadd.f32 v3, v1;
	v0 =	vadd.f32 v28, v0  }
0x127: {  	v3 =	vld [tilespmem:s16+$0x10]  }
0x128: {  	v33 =	vld [tilespmem:s16+$0x30];
	v1 =	vadd.f32 v29, v1;
	v0 =	vadd.f32 v30, v0  }
0x129: {  	v34 =	vld [tilespmem:s16+$0x40]  }
0x12a: {  	v35 =	vld [tilespmem:s16+$0x60];
	v1 =	vadd.f32 v2, v1;
	v0 =	vadd.f32 v31, v0  }
0x12b: {  	v2 =	vld [tilespmem:s16+$0x50]  }
0x12c: {  	v36 =	vld [tilespmem:s16+$0x80];
	v1 =	vadd.f32 v3, v1;
	v0 =	vadd.f32 v32, v0  }
0x12d: {  	v3 =	vld [tilespmem:s16+$0x70]  }
0x12e: {  	v37 =	vld [tilespmem:s16+$0x90];
	v1 =	vadd.f32 v33, v1;
	v0 =	vadd.f32 v34, v0  }
0x12f: {  	v38 =	vld [tilespmem:s16+$0xA0]  }
0x130: {  	v39 =	vld [tilespmem:s16+$0xC0];
	v1 =	vadd.f32 v2, v1;
	v0 =	vadd.f32 v35, v0  }
0x131: {  	v2 =	vld [tilespmem:s16+$0xB0]  }
0x132: {  	v40 =	vld [tilespmem:s16+$0xE0];
	v1 =	vadd.f32 v3, v1;
	v0 =	vadd.f32 v36, v0  }
0x133: {  	v3 =	vld [tilespmem:s16+$0xD0]  }
0x134: {  	v41 =	vld [tilespmem:s16+$0xF0];
	v1 =	vadd.f32 v37, v1;
	v0 =	vadd.f32 v38, v0  }
0x135: {  	v42 =	vld [tilespmem:s16+$0x100]  }
0x136: {  	v43 =	vld [tilespmem:s16+$0x120];
	v1 =	vadd.f32 v2, v1;
	v0 =	vadd.f32 v39, v0  }
0x137: {  	v2 =	vld [tilespmem:s16+$0x110]  }
0x138: {  	v44 =	vld [tilespmem:s16+$0x140];
	v1 =	vadd.f32 v3, v1;
	v0 =	vadd.f32 v40, v0  }
0x139: {  	v3 =	vld [tilespmem:s16+$0x130]  }
0x13a: {  	v45 =	vld [tilespmem:s16+$0x150];
	v1 =	vadd.f32 v41, v1;
	v0 =	vadd.f32 v42, v0  }
0x13b: {  	v46 =	vld [tilespmem:s16+$0x160]  }
0x13c: {  	v47 =	vld [tilespmem:s16+$0x180];
	v1 =	vadd.f32 v2, v1;
	v0 =	vadd.f32 v43, v0  }
0x13d: {  	v2 =	vld [tilespmem:s16+$0x170]  }
0x13e: {  	v48 =	vld [tilespmem:s16+$0x1A0];
	v1 =	vadd.f32 v3, v1;
	v0 =	vadd.f32 v44, v0  }
0x13f: {  	v3 =	vld [tilespmem:s16+$0x190]  }
0x140: {  	v49 =	vld [tilespmem:s16+$0x1B0];
	v1 =	vadd.f32 v45, v1;
	v0 =	vadd.f32 v46, v0  }
0x141: {  	v50 =	vld [tilespmem:s16+$0x1C0]  }
0x142: {  	v51 =	vld [tilespmem:s16+$0x1E0];
	v1 =	vadd.f32 v2, v1;
	v0 =	vadd.f32 v47, v0  }
0x143: {  	v2 =	vld [tilespmem:s16+$0x1D0]  }
0x144: {  	v52 =	vld [tilespmem:s16+$0x200];
	v1 =	vadd.f32 v3, v1;
	v0 =	vadd.f32 v48, v0  }
0x145: {  	v3 =	vld [tilespmem:s16+$0x1F0]  }
0x146: {  	v53 =	vld [tilespmem:s16+$0x210];
	v1 =	vadd.f32 v49, v1;
	v0 =	vadd.f32 v50, v0  }
0x147: {  	v54 =	vld [tilespmem:s16+$0x220]  }
0x148: {  	v55 =	vld [tilespmem:s16+$0x240];
	v1 =	vadd.f32 v2, v1;
	v0 =	vadd.f32 v51, v0  }
0x149: {  	v2 =	vld [tilespmem:s16+$0x230]  }
0x14a: {  	v56 =	vld [tilespmem:s16+$0x260];
	v1 =	vadd.f32 v3, v1;
	v0 =	vadd.f32 v52, v0  }
0x14b: {  	v3 =	vld [tilespmem:s16+$0x250]  }
0x14c: {  	v57 =	vld [tilespmem:s16+$0x270];
	v1 =	vadd.f32 v53, v1;
	v0 =	vadd.f32 v54, v0  }
0x14d: {  	v58 =	vld [tilespmem:s16+$0x280]  }
0x14e: {  	v59 =	vld [tilespmem:s16+$0x2A0];
	v1 =	vadd.f32 v2, v1;
	v0 =	vadd.f32 v55, v0  }
0x14f: {  	v2 =	vld [tilespmem:s16+$0x290]  }
0x150: {  	v60 =	vld [tilespmem:s16+$0x2C0];
	v1 =	vadd.f32 v3, v1;
	v0 =	vadd.f32 v56, v0  }
0x151: {  	v3 =	vld [tilespmem:s16+$0x2B0]  }
0x152: {  	v61 =	vld [tilespmem:s16+$0x2D0];
	v1 =	vadd.f32 v57, v1;
	v0 =	vadd.f32 v58, v0  }
0x153: {  	v62 =	vld [tilespmem:s16+$0x2E0]  }
0x154: {  	v63 =	vld [tilespmem:s16+$0x300];
	v1 =	vadd.f32 v2, v1;
	v0 =	vadd.f32 v59, v0  }
0x155: {  	v2 =	vld [tilespmem:s16+$0x2F0]  }
0x156: {  	v1 =	vadd.f32 v3, v1;
	v0 =	vadd.f32 v60, v0  }
0x157: {  	v3 =	vld [tilespmem:s16+$0x310]  }
0x158: {  	v1 =	vadd.f32 v61, v1;
	v0 =	vadd.f32 v62, v0;
	_ =	sdelay $0x1  }
0x159: {  	v1 =	vadd.f32 v2, v1;
	v2 =	vadd.f32 v63, v0  }
0x15a: {  	s18 =	simm.s32 $0x0  }
0x15b: {  	s17 =	simm.s32 $0x80;
	v0 =	vadd.f32 v3, v1;
	[tilespmem:s18+$0xD040] =	vst v2  }
.LBB2_4:
0x15c: {  	p0 =	sne.s32 s17, $0x780  }
0x15d: {  	[tilespmem:s18+$0xD050] =	vst v0;
	s16 =	sadd.s32 $0x640, s16;
	s18 =	smov.u32 s17;
	s17 =	sadd.s32 $0x80, s17  }
0x15e: {  	v0 =	vld [tilespmem:s16+$0xFFFFFCE0]  }
0x15f: {  	v1 =	vld [tilespmem:s16+$0xFFFFFCF0]  }
0x160: {  	v2 =	vld [tilespmem:s16+$0xFFFFFD00]  }
0x161: {  	v3 =	vld [tilespmem:s16+$0xFFFFFD10]  }
0x162: {  	v4 =	vld [tilespmem:s16+$0xFFFFFD20]  }
0x163: {  	v0 =	vadd.f32 $0.0e+00, v0;
	v5 =	vld [tilespmem:s16+$0xFFFFFD30]  }
0x164: {  	v1 =	vadd.f32 $0.0e+00, v1;
	v6 =	vld [tilespmem:s16+$0xFFFFFD40]  }
0x165: {  	v0 =	vadd.f32 v2, v0;
	v2 =	vld [tilespmem:s16+$0xFFFFFD50]  }
0x166: {  	v1 =	vadd.f32 v3, v1;
	v3 =	vld [tilespmem:s16+$0xFFFFFD60]  }
0x167: {  	v0 =	vadd.f32 v4, v0;
	v4 =	vld [tilespmem:s16+$0xFFFFFD70]  }
0x168: {  	v1 =	vadd.f32 v5, v1;
	v5 =	vld [tilespmem:s16+$0xFFFFFD80]  }
0x169: {  	v0 =	vadd.f32 v6, v0;
	v6 =	vld [tilespmem:s16+$0xFFFFFD90]  }
0x16a: {  	v1 =	vadd.f32 v2, v1;
	v2 =	vld [tilespmem:s16+$0xFFFFFDA0]  }
0x16b: {  	v0 =	vadd.f32 v3, v0;
	v3 =	vld [tilespmem:s16+$0xFFFFFDB0]  }
0x16c: {  	v1 =	vadd.f32 v4, v1;
	v4 =	vld [tilespmem:s16+$0xFFFFFDC0]  }
0x16d: {  	v0 =	vadd.f32 v5, v0;
	v5 =	vld [tilespmem:s16+$0xFFFFFDD0]  }
0x16e: {  	v1 =	vadd.f32 v6, v1;
	v6 =	vld [tilespmem:s16+$0xFFFFFDE0]  }
0x16f: {  	v0 =	vadd.f32 v2, v0;
	v2 =	vld [tilespmem:s16+$0xFFFFFDF0]  }
0x170: {  	v1 =	vadd.f32 v3, v1;
	v3 =	vld [tilespmem:s16+$0xFFFFFE00]  }
0x171: {  	v0 =	vadd.f32 v4, v0;
	v4 =	vld [tilespmem:s16+$0xFFFFFE10]  }
0x172: {  	v1 =	vadd.f32 v5, v1;
	v5 =	vld [tilespmem:s16+$0xFFFFFE20]  }
0x173: {  	v0 =	vadd.f32 v6, v0;
	v6 =	vld [tilespmem:s16+$0xFFFFFE30]  }
0x174: {  	v1 =	vadd.f32 v2, v1;
	v2 =	vld [tilespmem:s16+$0xFFFFFE40]  }
0x175: {  	v0 =	vadd.f32 v3, v0;
	v3 =	vld [tilespmem:s16+$0xFFFFFE50]  }
0x176: {  	v1 =	vadd.f32 v4, v1;
	v4 =	vld [tilespmem:s16+$0xFFFFFE60]  }
0x177: {  	v0 =	vadd.f32 v5, v0;
	v5 =	vld [tilespmem:s16+$0xFFFFFE70]  }
0x178: {  	v1 =	vadd.f32 v6, v1;
	v6 =	vld [tilespmem:s16+$0xFFFFFE80]  }
0x179: {  	v0 =	vadd.f32 v2, v0;
	v2 =	vld [tilespmem:s16+$0xFFFFFE90]  }
0x17a: {  	v1 =	vadd.f32 v3, v1;
	v3 =	vld [tilespmem:s16+$0xFFFFFEA0]  }
0x17b: {  	v0 =	vadd.f32 v4, v0;
	v4 =	vld [tilespmem:s16+$0xFFFFFEB0]  }
0x17c: {  	v1 =	vadd.f32 v5, v1;
	v5 =	vld [tilespmem:s16+$0xFFFFFEC0]  }
0x17d: {  	v0 =	vadd.f32 v6, v0;
	v6 =	vld [tilespmem:s16+$0xFFFFFED0]  }
0x17e: {  	v1 =	vadd.f32 v2, v1;
	v2 =	vld [tilespmem:s16+$0xFFFFFEE0]  }
0x17f: {  	v0 =	vadd.f32 v3, v0;
	v3 =	vld [tilespmem:s16+$0xFFFFFEF0]  }
0x180: {  	v1 =	vadd.f32 v4, v1;
	v4 =	vld [tilespmem:s16+$0xFFFFFF00]  }
0x181: {  	v0 =	vadd.f32 v5, v0;
	v5 =	vld [tilespmem:s16+$0xFFFFFF10]  }
0x182: {  	v1 =	vadd.f32 v6, v1;
	v6 =	vld [tilespmem:s16+$0xFFFFFF20]  }
0x183: {  	v0 =	vadd.f32 v2, v0;
	v2 =	vld [tilespmem:s16+$0xFFFFFF30]  }
0x184: {  	v1 =	vadd.f32 v3, v1;
	v3 =	vld [tilespmem:s16+$0xFFFFFF40]  }
0x185: {  	v0 =	vadd.f32 v4, v0;
	v4 =	vld [tilespmem:s16+$0xFFFFFF50]  }
0x186: {  	v1 =	vadd.f32 v5, v1;
	v5 =	vld [tilespmem:s16+$0xFFFFFF60]  }
0x187: {  	v0 =	vadd.f32 v6, v0;
	v6 =	vld [tilespmem:s16+$0xFFFFFF70]  }
0x188: {  	v1 =	vadd.f32 v2, v1;
	v2 =	vld [tilespmem:s16+$0xFFFFFF80]  }
0x189: {  	v0 =	vadd.f32 v3, v0;
	v3 =	vld [tilespmem:s16+$0xFFFFFF90]  }
0x18a: {  	v1 =	vadd.f32 v4, v1;
	v4 =	vld [tilespmem:s16+$0xFFFFFFA0]  }
0x18b: {  	v0 =	vadd.f32 v5, v0;
	v5 =	vld [tilespmem:s16+$0xFFFFFFB0]  }
0x18c: {  	v1 =	vadd.f32 v6, v1;
	v6 =	vld [tilespmem:s16+$0xFFFFFFC0]  }
0x18d: {  	v0 =	vadd.f32 v2, v0;
	v2 =	vld [tilespmem:s16+$0xFFFFFFD0]  }
0x18e: {  	v1 =	vadd.f32 v3, v1;
	v3 =	vld [tilespmem:s16+$0xFFFFFFE0]  }
0x18f: {  	v0 =	vadd.f32 v4, v0;
	v4 =	vld [tilespmem:s16+$0xFFFFFFF0]  }
0x190: {  	v1 =	vadd.f32 v5, v1;
	v5 =	vld [tilespmem:s16+$0x0]  }
0x191: {  	v0 =	vadd.f32 v6, v0;
	v6 =	vld [tilespmem:s16+$0x10]  }
0x192: {  	v1 =	vadd.f32 v2, v1;
	v2 =	vld [tilespmem:s16+$0x20]  }
0x193: {  	v0 =	vadd.f32 v3, v0;
	v3 =	vld [tilespmem:s16+$0x30]  }
0x194: {  	v1 =	vadd.f32 v4, v1;
	v4 =	vld [tilespmem:s16+$0x40]  }
0x195: {  	v0 =	vadd.f32 v5, v0;
	v5 =	vld [tilespmem:s16+$0x50]  }
0x196: {  	v1 =	vadd.f32 v6, v1;
	v6 =	vld [tilespmem:s16+$0x60]  }
0x197: {  	v0 =	vadd.f32 v2, v0;
	v2 =	vld [tilespmem:s16+$0x70]  }
0x198: {  	v1 =	vadd.f32 v3, v1;
	v3 =	vld [tilespmem:s16+$0x80]  }
0x199: {  	v0 =	vadd.f32 v4, v0;
	v4 =	vld [tilespmem:s16+$0x90]  }
0x19a: {  	v1 =	vadd.f32 v5, v1;
	v5 =	vld [tilespmem:s16+$0xA0]  }
0x19b: {  	v0 =	vadd.f32 v6, v0;
	v6 =	vld [tilespmem:s16+$0xB0]  }
0x19c: {  	v1 =	vadd.f32 v2, v1;
	v2 =	vld [tilespmem:s16+$0xC0]  }
0x19d: {  	v0 =	vadd.f32 v3, v0;
	v3 =	vld [tilespmem:s16+$0xD0]  }
0x19e: {  	v1 =	vadd.f32 v4, v1;
	v4 =	vld [tilespmem:s16+$0xE0]  }
0x19f: {  	v0 =	vadd.f32 v5, v0;
	v5 =	vld [tilespmem:s16+$0xF0]  }
0x1a0: {  	v1 =	vadd.f32 v6, v1;
	v6 =	vld [tilespmem:s16+$0x100]  }
0x1a1: {  	v0 =	vadd.f32 v2, v0;
	v2 =	vld [tilespmem:s16+$0x110]  }
0x1a2: {  	v1 =	vadd.f32 v3, v1;
	v3 =	vld [tilespmem:s16+$0x120]  }
0x1a3: {  	v0 =	vadd.f32 v4, v0;
	v4 =	vld [tilespmem:s16+$0x130]  }
0x1a4: {  	v1 =	vadd.f32 v5, v1;
	v5 =	vld [tilespmem:s16+$0x140]  }
0x1a5: {  	v0 =	vadd.f32 v6, v0;
	v6 =	vld [tilespmem:s16+$0x150]  }
0x1a6: {  	v1 =	vadd.f32 v2, v1;
	v2 =	vld [tilespmem:s16+$0x160]  }
0x1a7: {  	v0 =	vadd.f32 v3, v0;
	v3 =	vld [tilespmem:s16+$0x170]  }
0x1a8: {  	v1 =	vadd.f32 v4, v1;
	v4 =	vld [tilespmem:s16+$0x180]  }
0x1a9: {  	v0 =	vadd.f32 v5, v0;
	v5 =	vld [tilespmem:s16+$0x190]  }
0x1aa: {  	v1 =	vadd.f32 v6, v1;
	v6 =	vld [tilespmem:s16+$0x1A0]  }
0x1ab: {  	v0 =	vadd.f32 v2, v0;
	v2 =	vld [tilespmem:s16+$0x1B0]  }
0x1ac: {  	v1 =	vadd.f32 v3, v1;
	v3 =	vld [tilespmem:s16+$0x1C0]  }
0x1ad: {  	v0 =	vadd.f32 v4, v0;
	v4 =	vld [tilespmem:s16+$0x1D0]  }
0x1ae: {  	v1 =	vadd.f32 v5, v1;
	v5 =	vld [tilespmem:s16+$0x1E0]  }
0x1af: {  	v0 =	vadd.f32 v6, v0;
	v6 =	vld [tilespmem:s16+$0x1F0]  }
0x1b0: {  	v1 =	vadd.f32 v2, v1;
	v2 =	vld [tilespmem:s16+$0x200]  }
0x1b1: {  	v0 =	vadd.f32 v3, v0;
	v3 =	vld [tilespmem:s16+$0x210]  }
0x1b2: {  	v1 =	vadd.f32 v4, v1;
	v4 =	vld [tilespmem:s16+$0x220]  }
0x1b3: {  	v0 =	vadd.f32 v5, v0;
	v5 =	vld [tilespmem:s16+$0x230]  }
0x1b4: {  	v1 =	vadd.f32 v6, v1;
	v6 =	vld [tilespmem:s16+$0x240]  }
0x1b5: {  	v0 =	vadd.f32 v2, v0;
	v2 =	vld [tilespmem:s16+$0x250]  }
0x1b6: {  	v1 =	vadd.f32 v3, v1;
	v3 =	vld [tilespmem:s16+$0x260]  }
0x1b7: {  	v0 =	vadd.f32 v4, v0;
	v4 =	vld [tilespmem:s16+$0x270]  }
0x1b8: {  	v1 =	vadd.f32 v5, v1;
	v5 =	vld [tilespmem:s16+$0x280]  }
0x1b9: {  	v0 =	vadd.f32 v6, v0;
	v6 =	vld [tilespmem:s16+$0x290]  }
0x1ba: {  	v1 =	vadd.f32 v2, v1;
	v2 =	vld [tilespmem:s16+$0x2A0]  }
0x1bb: {  	v0 =	vadd.f32 v3, v0;
	v3 =	vld [tilespmem:s16+$0x2B0]  }
0x1bc: {  	v1 =	vadd.f32 v4, v1;
	v4 =	vld [tilespmem:s16+$0x2C0]  }
0x1bd: {  	v0 =	vadd.f32 v5, v0;
	v5 =	vld [tilespmem:s16+$0x2D0]  }
0x1be: {  	v1 =	vadd.f32 v6, v1;
	v6 =	vld [tilespmem:s16+$0x2E0]  }
0x1bf: {  	v0 =	vadd.f32 v2, v0;
	v2 =	vld [tilespmem:s16+$0x2F0]  }
0x1c0: {  	v1 =	vadd.f32 v3, v1;
	v3 =	vld [tilespmem:s16+$0x300]  }
0x1c1: {  	v0 =	vadd.f32 v4, v0;
	v4 =	vld [tilespmem:s16+$0x310]  }
0x1c2: {  	v1 =	vadd.f32 v5, v1  }
.Ltmp1:
0x1c3: {  	v0 =	vadd.f32 v6, v0;
	(pc) =	sbr.rel @p0 .LBB2_4-.Ltmp1, $4  }
0x1c4: {  	v1 =	vadd.f32 v2, v1  }
0x1c5: {  	v2 =	vadd.f32 v3, v0  }
0x1c6: {  	s18 =	sshra.s32 s18, $0x2;
	v0 =	vadd.f32 v4, v1  }
0x1c7: {  	[tilespmem:s18+$0xD040] =	vst v2  }
0x1c8: {  	s15 =	sadd.s32 $0x1, s15  }
0x1c9: {  	p0 =	sne.s32 s15, s7  }
.Ltmp2:
0x1ca: {  	[tilespmem:s18+$0xD050] =	vst v0;
	(pc) =	sbr.rel @p0 .LBB2_1-.Ltmp2, $4  }
0x1cb: {  	[hbm4b:s6+s2] =	stream.linear.scatter [tilespmem:s14], [sflag:$0x3], $0x400, $0x38;
	[tilespmem:$0xD240] =	vst v63  }
0x1cc: {  	_ =	swait.ge [sflag:s8], $0x400  }
0x1cd: {  	[sflag:s8] =	ssyncset.done $0x0  }
0x1ce: {  	[sflag:s8] =	ssyncadd.s32 $0xFFFFFC00  }
0x1cf: {  	_ =	sfence.sel $0x180000  }
0x1d0: {  	[bflag:$0x0] =	sbarrier.arrive $0xFFFF  }
0x1d1: {  	p0 =	sne.s32 s0, $0x0;
	_ =	strace $0x90000047  }
0x1d2: {  	s0 =	sadd.s32 @!p0 $0x100000, s1;
	[bflag:$0x2] =	sbarrier.arrive $0xFFFF  }
0x1d3: {  	[sflag:s0] =	ssyncadd.tile.s32 @!p0 $0x1;
	_ =	shalt  }
.Lfunc_end2:
_tile_overlayer_lowered:
.L_overlay_start_2:
0x1d4: {  	(tag) =	ssettag $0x2  }
0x1d5: {  	s0 =	rddreg [dreg:$0x0];
	s2 =	stileid.u32  }
0x1d6: {  	s1 =	rddreg [dreg:$0x1];
	p0 =	sne.s32 s2, $0x0  }
0x1d7: {  	s3 =	rddreg [dreg:$0x2];
	[bflag:$0x3] =	sbarrier.arrive $0xFFFF;
	s2 =	simm.s32 @!p0 $0x1C03  }
0x1d8: {  	[timem:s3], [sflag:s2] =	dma.local @!p0 [hbm:s0], s1  }
0x1d9: {  	s0 =	simm.s32 @!p0 $0x3  }
0x1da: {  	_ =	swait.ge @!p0 [sflag:s0], s1  }
0x1db: {  	s1 =	ssub.s32 @!p0 $0x0, s1;
	[sflag:s0] =	ssyncset.done @!p0 $0x0  }
0x1dc: {  	[sflag:s0] =	ssyncadd.s32 @!p0 s1  }
0x1dd: {  	[bflag:$0x3] =	sbarrier.arrive $0xFFFF  }
0x1de: {  	_ =	shalt  }

</sc_bundles>
